<compile_context>
chip_gen: v7x
topology: tpu7x:2x2x1
jax: 0.10.2.dev20260603
libtpu: 0.0.44.dev20260713+nightly
codegen_flags: <defaults>
</compile_context>

<pallas_src>
import functools

import jax
import jax.numpy as jnp
from jax import lax
from jax.experimental import pallas as pl
from jax.experimental.pallas import tpu as pltpu
from jax.experimental.pallas import tpu_sc as plsc

_NUM_WORKERS = 32
_CHUNK = 128
_NBUF = 6
_LEAD = 3


@functools.partial(jax.jit, static_argnums=(2, 3))
def _sc_gather(table, idx_flat, n, d):
    b_per_w = n // _NUM_WORKERS
    steps = b_per_w // _CHUNK
    mesh = plsc.VectorSubcoreMesh(core_axis_name="c", subcore_axis_name="s")

    @functools.partial(
        pl.kernel,
        mesh=mesh,
        out_type=jax.ShapeDtypeStruct((n, d), jnp.float32),
        scratch_types=[
            pltpu.VMEM((b_per_w,), jnp.int32),
            pltpu.VMEM((_NBUF, _CHUNK, d), jnp.float32),
        ] + [pltpu.SemaphoreType.DMA] * (2 * _NBUF),
    )
    def body(table_hbm, idx_hbm, out_hbm, idx_v, rows_v, *sems):
        gsem = sems[:_NBUF]
        wsem = sems[_NBUF:]
        wid = lax.axis_index("c") * 16 + lax.axis_index("s")
        base = pl.multiple_of(wid * b_per_w, _CHUNK)
        pltpu.sync_copy(idx_hbm.at[pl.ds(base, b_per_w)], idx_v)

        def start_gather(g, b):
            off = pl.multiple_of(g * _CHUNK, _CHUNK)
            pltpu.async_copy(
                table_hbm.at[idx_v.at[pl.ds(off, _CHUNK)]], rows_v.at[b], gsem[b]
            )

        def wait_gather(b):
            pltpu.make_async_copy(
                table_hbm.at[pl.ds(0, _CHUNK)], rows_v.at[b], gsem[b]
            ).wait()

        def start_write(g, b):
            off = pl.multiple_of(g * _CHUNK, _CHUNK)
            pltpu.async_copy(rows_v.at[b], out_hbm.at[pl.ds(base + off, _CHUNK)], wsem[b])

        def wait_write(g, b):
            off = pl.multiple_of(g * _CHUNK, _CHUNK)
            pltpu.make_async_copy(
                rows_v.at[b], out_hbm.at[pl.ds(base + off, _CHUNK)], wsem[b]
            ).wait()

        for b in range(_LEAD):
            start_gather(b, b)

        def visit(g, b):
            bn = (b + _LEAD) % _NBUF
            wait_gather(b)
            start_write(g, b)

            @pl.when(g >= _LEAD)
            def _():
                wait_write(g - _LEAD, bn)

            @pl.when(g + _LEAD < steps)
            def _():
                start_gather(g + _LEAD, bn)

        def outer(i, carry):
            for b in range(_NBUF):
                visit(i * _NBUF + b, b)
            return carry

        full = steps // _NBUF
        lax.fori_loop(0, full, outer, 0)
        for g in range(full * _NBUF, steps):
            visit(g, g % _NBUF)
        for g in range(steps - _LEAD, steps):
            wait_write(g, g % _NBUF)

    return body(table, idx_flat)


def kernel(token_ids, embedding_matrix):
    b, t = token_ids.shape
    v, d = embedding_matrix.shape
    n = b * t
    idx_flat = token_ids.reshape(n).astype(jnp.int32)
    out = _sc_gather(embedding_matrix, idx_flat, n, d)
    return out.reshape(b, t, d)

# --- scband reference (transcript-rebuilt; emitter-appended) ---
"""Pipeline reference for scband-embedding-1992864825558 (READ-ONLY COPY).

The authoritative reference and input builder live on the scoring server;
editing this copy changes nothing except your own understanding.
"""

import jax, jax.numpy as jnp
import numpy as np

NUM_EMBEDDINGS = 100000
EMBEDDING_DIM = 128

def setup_inputs(seed: int = 0) -> dict:
    key = jax.random.key(seed)
    k_idx, k_w = jax.random.split(key)
    token_ids = jax.random.randint(k_idx, (4096, 200), 0, NUM_EMBEDDINGS, dtype=jnp.int64 if jax.config.jax_enable_x64 else jnp.int32)
    # truncated normal init, mean=0, std=1, a=-3, b=3
    embedding_matrix = jax.random.truncated_normal(k_w, -3.0, 3.0, (NUM_EMBEDDINGS, EMBEDDING_DIM), dtype=jnp.float32)
    return {"token_ids": token_ids, "embedding_matrix": embedding_matrix}

def reference(token_ids, embedding_matrix):
    # Faithful translation of: return self.embedding_matrix[token_ids]
    return jnp.take(embedding_matrix, token_ids, axis=0)

if __name__ == "__main__":
    import jax
    _d = setup_inputs()
    print(jax.jit(kernel)(*tuple(_d.values())))

</pallas_src>

<mosaic_0001>
#map = affine_map<(d0, d1) -> (0, 0)>
#map1 = affine_map<(d0, d1) -> (0)>
module attributes {stable_mosaic.version = 14 : i64} {
  func.func @body(%arg0: i32, %arg1: i32, %arg2: memref<100000x128xf32, #tpu.memory_space<hbm>>, %arg3: memref<819200xi32, #tpu.memory_space<hbm>>, %arg4: memref<819200x128xf32, #tpu.memory_space<hbm>>, %arg5: memref<25600xi32, #tpu.memory_space<vmem>>, %arg6: memref<6x128x128xf32, #tpu.memory_space<vmem>>, %arg7: memref<!tpu.dma_semaphore, #tpu.memory_space<semaphore_mem>>, %arg8: memref<!tpu.dma_semaphore, #tpu.memory_space<semaphore_mem>>, %arg9: memref<!tpu.dma_semaphore, #tpu.memory_space<semaphore_mem>>, %arg10: memref<!tpu.dma_semaphore, #tpu.memory_space<semaphore_mem>>, %arg11: memref<!tpu.dma_semaphore, #tpu.memory_space<semaphore_mem>>, %arg12: memref<!tpu.dma_semaphore, #tpu.memory_space<semaphore_mem>>, %arg13: memref<!tpu.dma_semaphore, #tpu.memory_space<semaphore_mem>>, %arg14: memref<!tpu.dma_semaphore, #tpu.memory_space<semaphore_mem>>, %arg15: memref<!tpu.dma_semaphore, #tpu.memory_space<semaphore_mem>>, %arg16: memref<!tpu.dma_semaphore, #tpu.memory_space<semaphore_mem>>, %arg17: memref<!tpu.dma_semaphore, #tpu.memory_space<semaphore_mem>>, %arg18: memref<!tpu.dma_semaphore, #tpu.memory_space<semaphore_mem>>) attributes {dimension_semantics = [#tpu.dimension_semantics<core_parallel>, #tpu.dimension_semantics<subcore_parallel>], iteration_bounds = array<i64: 2, 16>, scalar_prefetch = 0 : i64, scratch_operands = 14 : i64, tpu.core_type = #tpu.core_type<sc_vector_subcore>, window_params = [{transform_indices = #map}, {transform_indices = #map1}, {transform_indices = #map}]} {
    %mul3A = arith.constant 16 : i32
    %mul3A_0 = arith.muli %arg0, %mul3A : i32
    %add3A = arith.addi %mul3A_0, %arg1 : i32
    %mul3A_1 = arith.constant 25600 : i32
    %mul3A_2 = arith.muli %add3A, %mul3A_1 : i32
    %multiple_of3A = tpu.assume_multiple %mul3A_2, 128 : i32
    "tpu.region"() ({
      %run_scoped3A = tpu.sem_alloc : memref<!tpu.dma_semaphore, #tpu.memory_space<semaphore_mem>>
      %dma_start3A_181 = tpu.memref_slice %arg3[%multiple_of3A] : memref<819200xi32, #tpu.memory_space<hbm>> -> memref<25600xi32, #tpu.memory_space<hbm>>
      %dma_start3A_182 = tpu.memref_slice %arg3[%multiple_of3A] : memref<819200xi32, #tpu.memory_space<hbm>> -> memref<25600xi32, #tpu.memory_space<hbm>>
      tpu.enqueue_dma source(%dma_start3A_182 : memref<25600xi32, #tpu.memory_space<hbm>>) target(%arg5 : memref<25600xi32, #tpu.memory_space<vmem>>) target_semaphore(%run_scoped3A : memref<!tpu.dma_semaphore, #tpu.memory_space<semaphore_mem>>)
      %dma_wait3A_183 = tpu.memref_slice %arg3[%multiple_of3A] : memref<819200xi32, #tpu.memory_space<hbm>> -> memref<25600xi32, #tpu.memory_space<hbm>>
      %dma_wait3A_184 = tpu.memref_slice %arg3[%multiple_of3A] : memref<819200xi32, #tpu.memory_space<hbm>> -> memref<25600xi32, #tpu.memory_space<hbm>>
      tpu.wait_dma2 semaphore(%run_scoped3A : memref<!tpu.dma_semaphore, #tpu.memory_space<semaphore_mem>>) src(%dma_wait3A_184 : memref<25600xi32, #tpu.memory_space<hbm>>) dst(%arg5 : memref<25600xi32, #tpu.memory_space<vmem>>)
      tpu.yield
    }) : () -> ()
    %multiple_of3A_3 = arith.constant 0 : i32
    %multiple_of3A_4 = tpu.assume_multiple %multiple_of3A_3, 128 : i32
    %dma_start3A = arith.constant 0 : i32
    %dma_start3A_5 = arith.constant 0 : i32
    %dma_start3A_6 = arith.constant 0 : i32
    %dma_start3A_7 = tpu.memref_slice %arg6[%dma_start3A, %dma_start3A_5, %dma_start3A_6] : memref<6x128x128xf32, #tpu.memory_space<vmem>> -> memref<1x128x128xf32, #tpu.memory_space<vmem>>
    %dma_start3A_8 = tpu.memref_squeeze %dma_start3A_7 : memref<1x128x128xf32, #tpu.memory_space<vmem>> -> memref<128x128xf32, #tpu.memory_space<vmem>>
    %dma_start3A_9 = tpu.memref_slice %arg5[%multiple_of3A_4] : memref<25600xi32, #tpu.memory_space<vmem>> -> memref<128xi32, #tpu.memory_space<vmem>>
    %dma_start3A_10 = arith.constant 0 : i32
    %dma_start3A_11 = arith.constant 0 : i32
    %dma_start3A_12 = tpu.memref_slice %arg2[%dma_start3A_10, %dma_start3A_11] : memref<100000x128xf32, #tpu.memory_space<hbm>> -> memref<100000x128xf32, #tpu.memory_space<hbm>>
    tpu.enqueue_indirect_dma source(%dma_start3A_12 : memref<100000x128xf32, #tpu.memory_space<hbm>>) target(%dma_start3A_8 : memref<128x128xf32, #tpu.memory_space<vmem>>) offsets(%dma_start3A_9 : memref<128xi32, #tpu.memory_space<vmem>>) semaphore(%arg7 : memref<!tpu.dma_semaphore, #tpu.memory_space<semaphore_mem>>)
    %multiple_of3A_13 = arith.constant 128 : i32
    %multiple_of3A_14 = tpu.assume_multiple %multiple_of3A_13, 128 : i32
    %dma_start3A_15 = arith.constant 1 : i32
    %dma_start3A_16 = arith.constant 0 : i32
    %dma_start3A_17 = arith.constant 0 : i32
    %dma_start3A_18 = tpu.memref_slice %arg6[%dma_start3A_15, %dma_start3A_16, %dma_start3A_17] : memref<6x128x128xf32, #tpu.memory_space<vmem>> -> memref<1x128x128xf32, #tpu.memory_space<vmem>>
    %dma_start3A_19 = tpu.memref_squeeze %dma_start3A_18 : memref<1x128x128xf32, #tpu.memory_space<vmem>> -> memref<128x128xf32, #tpu.memory_space<vmem>>
    %dma_start3A_20 = tpu.memref_slice %arg5[%multiple_of3A_14] : memref<25600xi32, #tpu.memory_space<vmem>> -> memref<128xi32, #tpu.memory_space<vmem>>
    %dma_start3A_21 = arith.constant 0 : i32
    %dma_start3A_22 = arith.constant 0 : i32
    %dma_start3A_23 = tpu.memref_slice %arg2[%dma_start3A_21, %dma_start3A_22] : memref<100000x128xf32, #tpu.memory_space<hbm>> -> memref<100000x128xf32, #tpu.memory_space<hbm>>
    tpu.enqueue_indirect_dma source(%dma_start3A_23 : memref<100000x128xf32, #tpu.memory_space<hbm>>) target(%dma_start3A_19 : memref<128x128xf32, #tpu.memory_space<vmem>>) offsets(%dma_start3A_20 : memref<128xi32, #tpu.memory_space<vmem>>) semaphore(%arg8 : memref<!tpu.dma_semaphore, #tpu.memory_space<semaphore_mem>>)
    %multiple_of3A_24 = arith.constant 256 : i32
    %multiple_of3A_25 = tpu.assume_multiple %multiple_of3A_24, 128 : i32
    %dma_start3A_26 = arith.constant 2 : i32
    %dma_start3A_27 = arith.constant 0 : i32
    %dma_start3A_28 = arith.constant 0 : i32
    %dma_start3A_29 = tpu.memref_slice %arg6[%dma_start3A_26, %dma_start3A_27, %dma_start3A_28] : memref<6x128x128xf32, #tpu.memory_space<vmem>> -> memref<1x128x128xf32, #tpu.memory_space<vmem>>
    %dma_start3A_30 = tpu.memref_squeeze %dma_start3A_29 : memref<1x128x128xf32, #tpu.memory_space<vmem>> -> memref<128x128xf32, #tpu.memory_space<vmem>>
    %dma_start3A_31 = tpu.memref_slice %arg5[%multiple_of3A_25] : memref<25600xi32, #tpu.memory_space<vmem>> -> memref<128xi32, #tpu.memory_space<vmem>>
    %dma_start3A_32 = arith.constant 0 : i32
    %dma_start3A_33 = arith.constant 0 : i32
    %dma_start3A_34 = tpu.memref_slice %arg2[%dma_start3A_32, %dma_start3A_33] : memref<100000x128xf32, #tpu.memory_space<hbm>> -> memref<100000x128xf32, #tpu.memory_space<hbm>>
    tpu.enqueue_indirect_dma source(%dma_start3A_34 : memref<100000x128xf32, #tpu.memory_space<hbm>>) target(%dma_start3A_30 : memref<128x128xf32, #tpu.memory_space<vmem>>) offsets(%dma_start3A_31 : memref<128xi32, #tpu.memory_space<vmem>>) semaphore(%arg9 : memref<!tpu.dma_semaphore, #tpu.memory_space<semaphore_mem>>)
    %scan3A = arith.constant 0 : i32
    %scan3A_35 = arith.constant 0 : i32
    %scan3A_36 = arith.constant 33 : i32
    %scan3A_37 = arith.addi %scan3A_35, %scan3A_36 : i32
    %scan3A_38 = arith.constant 1 : i32
    scf.for %scan3A_181 = %scan3A_35 to %scan3A_37 step %scan3A_38  : i32 {
      %mul3A_182 = arith.constant 6 : i32
      %mul3A_183 = arith.muli %scan3A_181, %mul3A_182 : i32
      %add3A_184 = arith.constant 0 : i32
      %add3A_185 = arith.addi %mul3A_183, %add3A_184 : i32
      %dma_wait3A_186 = arith.constant 0 : i32
      %dma_wait3A_187 = arith.constant 0 : i32
      %dma_wait3A_188 = arith.constant 0 : i32
      %dma_wait3A_189 = tpu.memref_slice %arg6[%dma_wait3A_186, %dma_wait3A_187, %dma_wait3A_188] : memref<6x128x128xf32, #tpu.memory_space<vmem>> -> memref<1x128x128xf32, #tpu.memory_space<vmem>>
      %dma_wait3A_190 = tpu.memref_squeeze %dma_wait3A_189 : memref<1x128x128xf32, #tpu.memory_space<vmem>> -> memref<128x128xf32, #tpu.memory_space<vmem>>
      %dma_wait3A_191 = arith.constant 0 : i32
      %dma_wait3A_192 = arith.constant 0 : i32
      %dma_wait3A_193 = tpu.memref_slice %arg2[%dma_wait3A_191, %dma_wait3A_192] : memref<100000x128xf32, #tpu.memory_space<hbm>> -> memref<128x128xf32, #tpu.memory_space<hbm>>
      %dma_wait3A_194 = arith.constant 0 : i32
      %dma_wait3A_195 = arith.constant 0 : i32
      %dma_wait3A_196 = tpu.memref_slice %arg6[%dma_wait3A_186, %dma_wait3A_194, %dma_wait3A_195] : memref<6x128x128xf32, #tpu.memory_space<vmem>> -> memref<1x128x128xf32, #tpu.memory_space<vmem>>
      %dma_wait3A_197 = tpu.memref_squeeze %dma_wait3A_196 : memref<1x128x128xf32, #tpu.memory_space<vmem>> -> memref<128x128xf32, #tpu.memory_space<vmem>>
      %dma_wait3A_198 = arith.constant 0 : i32
      %dma_wait3A_199 = arith.constant 0 : i32
      %dma_wait3A_200 = tpu.memref_slice %arg2[%dma_wait3A_198, %dma_wait3A_199] : memref<100000x128xf32, #tpu.memory_space<hbm>> -> memref<128x128xf32, #tpu.memory_space<hbm>>
      tpu.wait_dma2 semaphore(%arg7 : memref<!tpu.dma_semaphore, #tpu.memory_space<semaphore_mem>>) src(%dma_wait3A_200 : memref<128x128xf32, #tpu.memory_space<hbm>>) dst(%dma_wait3A_197 : memref<128x128xf32, #tpu.memory_space<vmem>>)
      %mul3A_201 = arith.constant 128 : i32
      %mul3A_202 = arith.muli %add3A_185, %mul3A_201 : i32
      %multiple_of3A_203 = tpu.assume_multiple %mul3A_202, 128 : i32
      %add3A_204 = arith.addi %multiple_of3A, %multiple_of3A_203 : i32
      %dma_start3A_205 = arith.constant 0 : i32
      %dma_start3A_206 = arith.constant 0 : i32
      %dma_start3A_207 = arith.constant 0 : i32
      %dma_start3A_208 = tpu.memref_slice %arg6[%dma_start3A_205, %dma_start3A_206, %dma_start3A_207] : memref<6x128x128xf32, #tpu.memory_space<vmem>> -> memref<1x128x128xf32, #tpu.memory_space<vmem>>
      %dma_start3A_209 = tpu.memref_squeeze %dma_start3A_208 : memref<1x128x128xf32, #tpu.memory_space<vmem>> -> memref<128x128xf32, #tpu.memory_space<vmem>>
      %dma_start3A_210 = arith.constant 0 : i32
      %dma_start3A_211 = tpu.memref_slice %arg4[%add3A_204, %dma_start3A_210] : memref<819200x128xf32, #tpu.memory_space<hbm>> -> memref<128x128xf32, #tpu.memory_space<hbm>>
      %dma_start3A_212 = arith.constant 0 : i32
      %dma_start3A_213 = tpu.memref_slice %arg4[%add3A_204, %dma_start3A_212] : memref<819200x128xf32, #tpu.memory_space<hbm>> -> memref<128x128xf32, #tpu.memory_space<hbm>>
      %dma_start3A_214 = arith.constant 0 : i32
      %dma_start3A_215 = arith.constant 0 : i32
      %dma_start3A_216 = tpu.memref_slice %arg6[%dma_start3A_205, %dma_start3A_214, %dma_start3A_215] : memref<6x128x128xf32, #tpu.memory_space<vmem>> -> memref<1x128x128xf32, #tpu.memory_space<vmem>>
      %dma_start3A_217 = tpu.memref_squeeze %dma_start3A_216 : memref<1x128x128xf32, #tpu.memory_space<vmem>> -> memref<128x128xf32, #tpu.memory_space<vmem>>
      tpu.enqueue_dma source(%dma_start3A_217 : memref<128x128xf32, #tpu.memory_space<vmem>>) target(%dma_start3A_213 : memref<128x128xf32, #tpu.memory_space<hbm>>) target_semaphore(%arg13 : memref<!tpu.dma_semaphore, #tpu.memory_space<semaphore_mem>>)
      %ge3A = arith.constant 3 : i32
      %ge3A_218 = arith.cmpi sge, %add3A_185, %ge3A : i32
      %convert_element_type3A = arith.extui %ge3A_218 : i1 to i32
      %cond3A = arith.constant 0 : i32
      %cond3A_219 = arith.cmpi ne, %convert_element_type3A, %cond3A : i32
      scf.if %cond3A_219 {
        %sub3A = arith.constant 3 : i32
        %sub3A_466 = arith.subi %add3A_185, %sub3A : i32
        %mul3A_467 = arith.constant 128 : i32
        %mul3A_468 = arith.muli %sub3A_466, %mul3A_467 : i32
        %multiple_of3A_469 = tpu.assume_multiple %mul3A_468, 128 : i32
        %add3A_470 = arith.addi %multiple_of3A, %multiple_of3A_469 : i32
        %dma_wait3A_471 = arith.constant 3 : i32
        %dma_wait3A_472 = arith.constant 0 : i32
        %dma_wait3A_473 = arith.constant 0 : i32
        %dma_wait3A_474 = tpu.memref_slice %arg6[%dma_wait3A_471, %dma_wait3A_472, %dma_wait3A_473] : memref<6x128x128xf32, #tpu.memory_space<vmem>> -> memref<1x128x128xf32, #tpu.memory_space<vmem>>
        %dma_wait3A_475 = tpu.memref_squeeze %dma_wait3A_474 : memref<1x128x128xf32, #tpu.memory_space<vmem>> -> memref<128x128xf32, #tpu.memory_space<vmem>>
        %dma_wait3A_476 = arith.constant 0 : i32
        %dma_wait3A_477 = tpu.memref_slice %arg4[%add3A_470, %dma_wait3A_476] : memref<819200x128xf32, #tpu.memory_space<hbm>> -> memref<128x128xf32, #tpu.memory_space<hbm>>
        %dma_wait3A_478 = arith.constant 0 : i32
        %dma_wait3A_479 = tpu.memref_slice %arg4[%add3A_470, %dma_wait3A_478] : memref<819200x128xf32, #tpu.memory_space<hbm>> -> memref<128x128xf32, #tpu.memory_space<hbm>>
        %dma_wait3A_480 = arith.constant 0 : i32
        %dma_wait3A_481 = arith.constant 0 : i32
        %dma_wait3A_482 = tpu.memref_slice %arg6[%dma_wait3A_471, %dma_wait3A_480, %dma_wait3A_481] : memref<6x128x128xf32, #tpu.memory_space<vmem>> -> memref<1x128x128xf32, #tpu.memory_space<vmem>>
        %dma_wait3A_483 = tpu.memref_squeeze %dma_wait3A_482 : memref<1x128x128xf32, #tpu.memory_space<vmem>> -> memref<128x128xf32, #tpu.memory_space<vmem>>
        tpu.wait_dma2 semaphore(%arg16 : memref<!tpu.dma_semaphore, #tpu.memory_space<semaphore_mem>>) src(%dma_wait3A_483 : memref<128x128xf32, #tpu.memory_space<vmem>>) dst(%dma_wait3A_479 : memref<128x128xf32, #tpu.memory_space<hbm>>)
      } else {
      }
      %add3A_220 = arith.constant 3 : i32
      %add3A_221 = arith.addi %add3A_185, %add3A_220 : i32
      %lt3A = arith.constant 200 : i32
      %lt3A_222 = arith.cmpi slt, %add3A_221, %lt3A : i32
      %convert_element_type3A_223 = arith.extui %lt3A_222 : i1 to i32
      %cond3A_224 = arith.constant 0 : i32
      %cond3A_225 = arith.cmpi ne, %convert_element_type3A_223, %cond3A_224 : i32
      scf.if %cond3A_225 {
        %add3A_466 = arith.constant 3 : i32
        %add3A_467 = arith.addi %add3A_185, %add3A_466 : i32
        %mul3A_468 = arith.constant 128 : i32
        %mul3A_469 = arith.muli %add3A_467, %mul3A_468 : i32
        %multiple_of3A_470 = tpu.assume_multiple %mul3A_469, 128 : i32
        %dma_start3A_471 = arith.constant 3 : i32
        %dma_start3A_472 = arith.constant 0 : i32
        %dma_start3A_473 = arith.constant 0 : i32
        %dma_start3A_474 = tpu.memref_slice %arg6[%dma_start3A_471, %dma_start3A_472, %dma_start3A_473] : memref<6x128x128xf32, #tpu.memory_space<vmem>> -> memref<1x128x128xf32, #tpu.memory_space<vmem>>
        %dma_start3A_475 = tpu.memref_squeeze %dma_start3A_474 : memref<1x128x128xf32, #tpu.memory_space<vmem>> -> memref<128x128xf32, #tpu.memory_space<vmem>>
        %dma_start3A_476 = tpu.memref_slice %arg5[%multiple_of3A_470] : memref<25600xi32, #tpu.memory_space<vmem>> -> memref<128xi32, #tpu.memory_space<vmem>>
        %dma_start3A_477 = arith.constant 0 : i32
        %dma_start3A_478 = arith.constant 0 : i32
        %dma_start3A_479 = tpu.memref_slice %arg2[%dma_start3A_477, %dma_start3A_478] : memref<100000x128xf32, #tpu.memory_space<hbm>> -> memref<100000x128xf32, #tpu.memory_space<hbm>>
        tpu.enqueue_indirect_dma source(%dma_start3A_479 : memref<100000x128xf32, #tpu.memory_space<hbm>>) target(%dma_start3A_475 : memref<128x128xf32, #tpu.memory_space<vmem>>) offsets(%dma_start3A_476 : memref<128xi32, #tpu.memory_space<vmem>>) semaphore(%arg10 : memref<!tpu.dma_semaphore, #tpu.memory_space<semaphore_mem>>)
      } else {
      }
      %mul3A_226 = arith.constant 6 : i32
      %mul3A_227 = arith.muli %scan3A_181, %mul3A_226 : i32
      %add3A_228 = arith.constant 1 : i32
      %add3A_229 = arith.addi %mul3A_227, %add3A_228 : i32
      %dma_wait3A_230 = arith.constant 1 : i32
      %dma_wait3A_231 = arith.constant 0 : i32
      %dma_wait3A_232 = arith.constant 0 : i32
      %dma_wait3A_233 = tpu.memref_slice %arg6[%dma_wait3A_230, %dma_wait3A_231, %dma_wait3A_232] : memref<6x128x128xf32, #tpu.memory_space<vmem>> -> memref<1x128x128xf32, #tpu.memory_space<vmem>>
      %dma_wait3A_234 = tpu.memref_squeeze %dma_wait3A_233 : memref<1x128x128xf32, #tpu.memory_space<vmem>> -> memref<128x128xf32, #tpu.memory_space<vmem>>
      %dma_wait3A_235 = arith.constant 0 : i32
      %dma_wait3A_236 = arith.constant 0 : i32
      %dma_wait3A_237 = tpu.memref_slice %arg2[%dma_wait3A_235, %dma_wait3A_236] : memref<100000x128xf32, #tpu.memory_space<hbm>> -> memref<128x128xf32, #tpu.memory_space<hbm>>
      %dma_wait3A_238 = arith.constant 0 : i32
      %dma_wait3A_239 = arith.constant 0 : i32
      %dma_wait3A_240 = tpu.memref_slice %arg6[%dma_wait3A_230, %dma_wait3A_238, %dma_wait3A_239] : memref<6x128x128xf32, #tpu.memory_space<vmem>> -> memref<1x128x128xf32, #tpu.memory_space<vmem>>
      %dma_wait3A_241 = tpu.memref_squeeze %dma_wait3A_240 : memref<1x128x128xf32, #tpu.memory_space<vmem>> -> memref<128x128xf32, #tpu.memory_space<vmem>>
      %dma_wait3A_242 = arith.constant 0 : i32
      %dma_wait3A_243 = arith.constant 0 : i32
      %dma_wait3A_244 = tpu.memref_slice %arg2[%dma_wait3A_242, %dma_wait3A_243] : memref<100000x128xf32, #tpu.memory_space<hbm>> -> memref<128x128xf32, #tpu.memory_space<hbm>>
      tpu.wait_dma2 semaphore(%arg8 : memref<!tpu.dma_semaphore, #tpu.memory_space<semaphore_mem>>) src(%dma_wait3A_244 : memref<128x128xf32, #tpu.memory_space<hbm>>) dst(%dma_wait3A_241 : memref<128x128xf32, #tpu.memory_space<vmem>>)
      %mul3A_245 = arith.constant 128 : i32
      %mul3A_246 = arith.muli %add3A_229, %mul3A_245 : i32
      %multiple_of3A_247 = tpu.assume_multiple %mul3A_246, 128 : i32
      %add3A_248 = arith.addi %multiple_of3A, %multiple_of3A_247 : i32
      %dma_start3A_249 = arith.constant 1 : i32
      %dma_start3A_250 = arith.constant 0 : i32
      %dma_start3A_251 = arith.constant 0 : i32
      %dma_start3A_252 = tpu.memref_slice %arg6[%dma_start3A_249, %dma_start3A_250, %dma_start3A_251] : memref<6x128x128xf32, #tpu.memory_space<vmem>> -> memref<1x128x128xf32, #tpu.memory_space<vmem>>
      %dma_start3A_253 = tpu.memref_squeeze %dma_start3A_252 : memref<1x128x128xf32, #tpu.memory_space<vmem>> -> memref<128x128xf32, #tpu.memory_space<vmem>>
      %dma_start3A_254 = arith.constant 0 : i32
      %dma_start3A_255 = tpu.memref_slice %arg4[%add3A_248, %dma_start3A_254] : memref<819200x128xf32, #tpu.memory_space<hbm>> -> memref<128x128xf32, #tpu.memory_space<hbm>>
      %dma_start3A_256 = arith.constant 0 : i32
      %dma_start3A_257 = tpu.memref_slice %arg4[%add3A_248, %dma_start3A_256] : memref<819200x128xf32, #tpu.memory_space<hbm>> -> memref<128x128xf32, #tpu.memory_space<hbm>>
      %dma_start3A_258 = arith.constant 0 : i32
      %dma_start3A_259 = arith.constant 0 : i32
      %dma_start3A_260 = tpu.memref_slice %arg6[%dma_start3A_249, %dma_start3A_258, %dma_start3A_259] : memref<6x128x128xf32, #tpu.memory_space<vmem>> -> memref<1x128x128xf32, #tpu.memory_space<vmem>>
      %dma_start3A_261 = tpu.memref_squeeze %dma_start3A_260 : memref<1x128x128xf32, #tpu.memory_space<vmem>> -> memref<128x128xf32, #tpu.memory_space<vmem>>
      tpu.enqueue_dma source(%dma_start3A_261 : memref<128x128xf32, #tpu.memory_space<vmem>>) target(%dma_start3A_257 : memref<128x128xf32, #tpu.memory_space<hbm>>) target_semaphore(%arg14 : memref<!tpu.dma_semaphore, #tpu.memory_space<semaphore_mem>>)
      %ge3A_262 = arith.constant 3 : i32
      %ge3A_263 = arith.cmpi sge, %add3A_229, %ge3A_262 : i32
      %convert_element_type3A_264 = arith.extui %ge3A_263 : i1 to i32
      %cond3A_265 = arith.constant 0 : i32
      %cond3A_266 = arith.cmpi ne, %convert_element_type3A_264, %cond3A_265 : i32
      scf.if %cond3A_266 {
        %sub3A = arith.constant 3 : i32
        %sub3A_466 = arith.subi %add3A_229, %sub3A : i32
        %mul3A_467 = arith.constant 128 : i32
        %mul3A_468 = arith.muli %sub3A_466, %mul3A_467 : i32
        %multiple_of3A_469 = tpu.assume_multiple %mul3A_468, 128 : i32
        %add3A_470 = arith.addi %multiple_of3A, %multiple_of3A_469 : i32
        %dma_wait3A_471 = arith.constant 4 : i32
        %dma_wait3A_472 = arith.constant 0 : i32
        %dma_wait3A_473 = arith.constant 0 : i32
        %dma_wait3A_474 = tpu.memref_slice %arg6[%dma_wait3A_471, %dma_wait3A_472, %dma_wait3A_473] : memref<6x128x128xf32, #tpu.memory_space<vmem>> -> memref<1x128x128xf32, #tpu.memory_space<vmem>>
        %dma_wait3A_475 = tpu.memref_squeeze %dma_wait3A_474 : memref<1x128x128xf32, #tpu.memory_space<vmem>> -> memref<128x128xf32, #tpu.memory_space<vmem>>
        %dma_wait3A_476 = arith.constant 0 : i32
        %dma_wait3A_477 = tpu.memref_slice %arg4[%add3A_470, %dma_wait3A_476] : memref<819200x128xf32, #tpu.memory_space<hbm>> -> memref<128x128xf32, #tpu.memory_space<hbm>>
        %dma_wait3A_478 = arith.constant 0 : i32
        %dma_wait3A_479 = tpu.memref_slice %arg4[%add3A_470, %dma_wait3A_478] : memref<819200x128xf32, #tpu.memory_space<hbm>> -> memref<128x128xf32, #tpu.memory_space<hbm>>
        %dma_wait3A_480 = arith.constant 0 : i32
        %dma_wait3A_481 = arith.constant 0 : i32
        %dma_wait3A_482 = tpu.memref_slice %arg6[%dma_wait3A_471, %dma_wait3A_480, %dma_wait3A_481] : memref<6x128x128xf32, #tpu.memory_space<vmem>> -> memref<1x128x128xf32, #tpu.memory_space<vmem>>
        %dma_wait3A_483 = tpu.memref_squeeze %dma_wait3A_482 : memref<1x128x128xf32, #tpu.memory_space<vmem>> -> memref<128x128xf32, #tpu.memory_space<vmem>>
        tpu.wait_dma2 semaphore(%arg17 : memref<!tpu.dma_semaphore, #tpu.memory_space<semaphore_mem>>) src(%dma_wait3A_483 : memref<128x128xf32, #tpu.memory_space<vmem>>) dst(%dma_wait3A_479 : memref<128x128xf32, #tpu.memory_space<hbm>>)
      } else {
      }
      %add3A_267 = arith.constant 3 : i32
      %add3A_268 = arith.addi %add3A_229, %add3A_267 : i32
      %lt3A_269 = arith.constant 200 : i32
      %lt3A_270 = arith.cmpi slt, %add3A_268, %lt3A_269 : i32
      %convert_element_type3A_271 = arith.extui %lt3A_270 : i1 to i32
      %cond3A_272 = arith.constant 0 : i32
      %cond3A_273 = arith.cmpi ne, %convert_element_type3A_271, %cond3A_272 : i32
      scf.if %cond3A_273 {
        %add3A_466 = arith.constant 3 : i32
        %add3A_467 = arith.addi %add3A_229, %add3A_466 : i32
        %mul3A_468 = arith.constant 128 : i32
        %mul3A_469 = arith.muli %add3A_467, %mul3A_468 : i32
        %multiple_of3A_470 = tpu.assume_multiple %mul3A_469, 128 : i32
        %dma_start3A_471 = arith.constant 4 : i32
        %dma_start3A_472 = arith.constant 0 : i32
        %dma_start3A_473 = arith.constant 0 : i32
        %dma_start3A_474 = tpu.memref_slice %arg6[%dma_start3A_471, %dma_start3A_472, %dma_start3A_473] : memref<6x128x128xf32, #tpu.memory_space<vmem>> -> memref<1x128x128xf32, #tpu.memory_space<vmem>>
        %dma_start3A_475 = tpu.memref_squeeze %dma_start3A_474 : memref<1x128x128xf32, #tpu.memory_space<vmem>> -> memref<128x128xf32, #tpu.memory_space<vmem>>
        %dma_start3A_476 = tpu.memref_slice %arg5[%multiple_of3A_470] : memref<25600xi32, #tpu.memory_space<vmem>> -> memref<128xi32, #tpu.memory_space<vmem>>
        %dma_start3A_477 = arith.constant 0 : i32
        %dma_start3A_478 = arith.constant 0 : i32
        %dma_start3A_479 = tpu.memref_slice %arg2[%dma_start3A_477, %dma_start3A_478] : memref<100000x128xf32, #tpu.memory_space<hbm>> -> memref<100000x128xf32, #tpu.memory_space<hbm>>
        tpu.enqueue_indirect_dma source(%dma_start3A_479 : memref<100000x128xf32, #tpu.memory_space<hbm>>) target(%dma_start3A_475 : memref<128x128xf32, #tpu.memory_space<vmem>>) offsets(%dma_start3A_476 : memref<128xi32, #tpu.memory_space<vmem>>) semaphore(%arg11 : memref<!tpu.dma_semaphore, #tpu.memory_space<semaphore_mem>>)
      } else {
      }
      %mul3A_274 = arith.constant 6 : i32
      %mul3A_275 = arith.muli %scan3A_181, %mul3A_274 : i32
      %add3A_276 = arith.constant 2 : i32
      %add3A_277 = arith.addi %mul3A_275, %add3A_276 : i32
      %dma_wait3A_278 = arith.constant 2 : i32
      %dma_wait3A_279 = arith.constant 0 : i32
      %dma_wait3A_280 = arith.constant 0 : i32
      %dma_wait3A_281 = tpu.memref_slice %arg6[%dma_wait3A_278, %dma_wait3A_279, %dma_wait3A_280] : memref<6x128x128xf32, #tpu.memory_space<vmem>> -> memref<1x128x128xf32, #tpu.memory_space<vmem>>
      %dma_wait3A_282 = tpu.memref_squeeze %dma_wait3A_281 : memref<1x128x128xf32, #tpu.memory_space<vmem>> -> memref<128x128xf32, #tpu.memory_space<vmem>>
      %dma_wait3A_283 = arith.constant 0 : i32
      %dma_wait3A_284 = arith.constant 0 : i32
      %dma_wait3A_285 = tpu.memref_slice %arg2[%dma_wait3A_283, %dma_wait3A_284] : memref<100000x128xf32, #tpu.memory_space<hbm>> -> memref<128x128xf32, #tpu.memory_space<hbm>>
      %dma_wait3A_286 = arith.constant 0 : i32
      %dma_wait3A_287 = arith.constant 0 : i32
      %dma_wait3A_288 = tpu.memref_slice %arg6[%dma_wait3A_278, %dma_wait3A_286, %dma_wait3A_287] : memref<6x128x128xf32, #tpu.memory_space<vmem>> -> memref<1x128x128xf32, #tpu.memory_space<vmem>>
      %dma_wait3A_289 = tpu.memref_squeeze %dma_wait3A_288 : memref<1x128x128xf32, #tpu.memory_space<vmem>> -> memref<128x128xf32, #tpu.memory_space<vmem>>
      %dma_wait3A_290 = arith.constant 0 : i32
      %dma_wait3A_291 = arith.constant 0 : i32
      %dma_wait3A_292 = tpu.memref_slice %arg2[%dma_wait3A_290, %dma_wait3A_291] : memref<100000x128xf32, #tpu.memory_space<hbm>> -> memref<128x128xf32, #tpu.memory_space<hbm>>
      tpu.wait_dma2 semaphore(%arg9 : memref<!tpu.dma_semaphore, #tpu.memory_space<semaphore_mem>>) src(%dma_wait3A_292 : memref<128x128xf32, #tpu.memory_space<hbm>>) dst(%dma_wait3A_289 : memref<128x128xf32, #tpu.memory_space<vmem>>)
      %mul3A_293 = arith.constant 128 : i32
      %mul3A_294 = arith.muli %add3A_277, %mul3A_293 : i32
      %multiple_of3A_295 = tpu.assume_multiple %mul3A_294, 128 : i32
      %add3A_296 = arith.addi %multiple_of3A, %multiple_of3A_295 : i32
      %dma_start3A_297 = arith.constant 2 : i32
      %dma_start3A_298 = arith.constant 0 : i32
      %dma_start3A_299 = arith.constant 0 : i32
      %dma_start3A_300 = tpu.memref_slice %arg6[%dma_start3A_297, %dma_start3A_298, %dma_start3A_299] : memref<6x128x128xf32, #tpu.memory_space<vmem>> -> memref<1x128x128xf32, #tpu.memory_space<vmem>>
      %dma_start3A_301 = tpu.memref_squeeze %dma_start3A_300 : memref<1x128x128xf32, #tpu.memory_space<vmem>> -> memref<128x128xf32, #tpu.memory_space<vmem>>
      %dma_start3A_302 = arith.constant 0 : i32
      %dma_start3A_303 = tpu.memref_slice %arg4[%add3A_296, %dma_start3A_302] : memref<819200x128xf32, #tpu.memory_space<hbm>> -> memref<128x128xf32, #tpu.memory_space<hbm>>
      %dma_start3A_304 = arith.constant 0 : i32
      %dma_start3A_305 = tpu.memref_slice %arg4[%add3A_296, %dma_start3A_304] : memref<819200x128xf32, #tpu.memory_space<hbm>> -> memref<128x128xf32, #tpu.memory_space<hbm>>
      %dma_start3A_306 = arith.constant 0 : i32
      %dma_start3A_307 = arith.constant 0 : i32
      %dma_start3A_308 = tpu.memref_slice %arg6[%dma_start3A_297, %dma_start3A_306, %dma_start3A_307] : memref<6x128x128xf32, #tpu.memory_space<vmem>> -> memref<1x128x128xf32, #tpu.memory_space<vmem>>
      %dma_start3A_309 = tpu.memref_squeeze %dma_start3A_308 : memref<1x128x128xf32, #tpu.memory_space<vmem>> -> memref<128x128xf32, #tpu.memory_space<vmem>>
      tpu.enqueue_dma source(%dma_start3A_309 : memref<128x128xf32, #tpu.memory_space<vmem>>) target(%dma_start3A_305 : memref<128x128xf32, #tpu.memory_space<hbm>>) target_semaphore(%arg15 : memref<!tpu.dma_semaphore, #tpu.memory_space<semaphore_mem>>)
      %ge3A_310 = arith.constant 3 : i32
      %ge3A_311 = arith.cmpi sge, %add3A_277, %ge3A_310 : i32
      %convert_element_type3A_312 = arith.extui %ge3A_311 : i1 to i32
      %cond3A_313 = arith.constant 0 : i32
      %cond3A_314 = arith.cmpi ne, %convert_element_type3A_312, %cond3A_313 : i32
      scf.if %cond3A_314 {
        %sub3A = arith.constant 3 : i32
        %sub3A_466 = arith.subi %add3A_277, %sub3A : i32
        %mul3A_467 = arith.constant 128 : i32
        %mul3A_468 = arith.muli %sub3A_466, %mul3A_467 : i32
        %multiple_of3A_469 = tpu.assume_multiple %mul3A_468, 128 : i32
        %add3A_470 = arith.addi %multiple_of3A, %multiple_of3A_469 : i32
        %dma_wait3A_471 = arith.constant 5 : i32
        %dma_wait3A_472 = arith.constant 0 : i32
        %dma_wait3A_473 = arith.constant 0 : i32
        %dma_wait3A_474 = tpu.memref_slice %arg6[%dma_wait3A_471, %dma_wait3A_472, %dma_wait3A_473] : memref<6x128x128xf32, #tpu.memory_space<vmem>> -> memref<1x128x128xf32, #tpu.memory_space<vmem>>
        %dma_wait3A_475 = tpu.memref_squeeze %dma_wait3A_474 : memref<1x128x128xf32, #tpu.memory_space<vmem>> -> memref<128x128xf32, #tpu.memory_space<vmem>>
        %dma_wait3A_476 = arith.constant 0 : i32
        %dma_wait3A_477 = tpu.memref_slice %arg4[%add3A_470, %dma_wait3A_476] : memref<819200x128xf32, #tpu.memory_space<hbm>> -> memref<128x128xf32, #tpu.memory_space<hbm>>
        %dma_wait3A_478 = arith.constant 0 : i32
        %dma_wait3A_479 = tpu.memref_slice %arg4[%add3A_470, %dma_wait3A_478] : memref<819200x128xf32, #tpu.memory_space<hbm>> -> memref<128x128xf32, #tpu.memory_space<hbm>>
        %dma_wait3A_480 = arith.constant 0 : i32
        %dma_wait3A_481 = arith.constant 0 : i32
        %dma_wait3A_482 = tpu.memref_slice %arg6[%dma_wait3A_471, %dma_wait3A_480, %dma_wait3A_481] : memref<6x128x128xf32, #tpu.memory_space<vmem>> -> memref<1x128x128xf32, #tpu.memory_space<vmem>>
        %dma_wait3A_483 = tpu.memref_squeeze %dma_wait3A_482 : memref<1x128x128xf32, #tpu.memory_space<vmem>> -> memref<128x128xf32, #tpu.memory_space<vmem>>
        tpu.wait_dma2 semaphore(%arg18 : memref<!tpu.dma_semaphore, #tpu.memory_space<semaphore_mem>>) src(%dma_wait3A_483 : memref<128x128xf32, #tpu.memory_space<vmem>>) dst(%dma_wait3A_479 : memref<128x128xf32, #tpu.memory_space<hbm>>)
      } else {
      }
      %add3A_315 = arith.constant 3 : i32
      %add3A_316 = arith.addi %add3A_277, %add3A_315 : i32
      %lt3A_317 = arith.constant 200 : i32
      %lt3A_318 = arith.cmpi slt, %add3A_316, %lt3A_317 : i32
      %convert_element_type3A_319 = arith.extui %lt3A_318 : i1 to i32
      %cond3A_320 = arith.constant 0 : i32
      %cond3A_321 = arith.cmpi ne, %convert_element_type3A_319, %cond3A_320 : i32
      scf.if %cond3A_321 {
        %add3A_466 = arith.constant 3 : i32
        %add3A_467 = arith.addi %add3A_277, %add3A_466 : i32
        %mul3A_468 = arith.constant 128 : i32
        %mul3A_469 = arith.muli %add3A_467, %mul3A_468 : i32
        %multiple_of3A_470 = tpu.assume_multiple %mul3A_469, 128 : i32
        %dma_start3A_471 = arith.constant 5 : i32
        %dma_start3A_472 = arith.constant 0 : i32
        %dma_start3A_473 = arith.constant 0 : i32
        %dma_start3A_474 = tpu.memref_slice %arg6[%dma_start3A_471, %dma_start3A_472, %dma_start3A_473] : memref<6x128x128xf32, #tpu.memory_space<vmem>> -> memref<1x128x128xf32, #tpu.memory_space<vmem>>
        %dma_start3A_475 = tpu.memref_squeeze %dma_start3A_474 : memref<1x128x128xf32, #tpu.memory_space<vmem>> -> memref<128x128xf32, #tpu.memory_space<vmem>>
        %dma_start3A_476 = tpu.memref_slice %arg5[%multiple_of3A_470] : memref<25600xi32, #tpu.memory_space<vmem>> -> memref<128xi32, #tpu.memory_space<vmem>>
        %dma_start3A_477 = arith.constant 0 : i32
        %dma_start3A_478 = arith.constant 0 : i32
        %dma_start3A_479 = tpu.memref_slice %arg2[%dma_start3A_477, %dma_start3A_478] : memref<100000x128xf32, #tpu.memory_space<hbm>> -> memref<100000x128xf32, #tpu.memory_space<hbm>>
        tpu.enqueue_indirect_dma source(%dma_start3A_479 : memref<100000x128xf32, #tpu.memory_space<hbm>>) target(%dma_start3A_475 : memref<128x128xf32, #tpu.memory_space<vmem>>) offsets(%dma_start3A_476 : memref<128xi32, #tpu.memory_space<vmem>>) semaphore(%arg12 : memref<!tpu.dma_semaphore, #tpu.memory_space<semaphore_mem>>)
      } else {
      }
      %mul3A_322 = arith.constant 6 : i32
      %mul3A_323 = arith.muli %scan3A_181, %mul3A_322 : i32
      %add3A_324 = arith.constant 3 : i32
      %add3A_325 = arith.addi %mul3A_323, %add3A_324 : i32
      %dma_wait3A_326 = arith.constant 3 : i32
      %dma_wait3A_327 = arith.constant 0 : i32
      %dma_wait3A_328 = arith.constant 0 : i32
      %dma_wait3A_329 = tpu.memref_slice %arg6[%dma_wait3A_326, %dma_wait3A_327, %dma_wait3A_328] : memref<6x128x128xf32, #tpu.memory_space<vmem>> -> memref<1x128x128xf32, #tpu.memory_space<vmem>>
      %dma_wait3A_330 = tpu.memref_squeeze %dma_wait3A_329 : memref<1x128x128xf32, #tpu.memory_space<vmem>> -> memref<128x128xf32, #tpu.memory_space<vmem>>
      %dma_wait3A_331 = arith.constant 0 : i32
      %dma_wait3A_332 = arith.constant 0 : i32
      %dma_wait3A_333 = tpu.memref_slice %arg2[%dma_wait3A_331, %dma_wait3A_332] : memref<100000x128xf32, #tpu.memory_space<hbm>> -> memref<128x128xf32, #tpu.memory_space<hbm>>
      %dma_wait3A_334 = arith.constant 0 : i32
      %dma_wait3A_335 = arith.constant 0 : i32
      %dma_wait3A_336 = tpu.memref_slice %arg6[%dma_wait3A_326, %dma_wait3A_334, %dma_wait3A_335] : memref<6x128x128xf32, #tpu.memory_space<vmem>> -> memref<1x128x128xf32, #tpu.memory_space<vmem>>
      %dma_wait3A_337 = tpu.memref_squeeze %dma_wait3A_336 : memref<1x128x128xf32, #tpu.memory_space<vmem>> -> memref<128x128xf32, #tpu.memory_space<vmem>>
      %dma_wait3A_338 = arith.constant 0 : i32
      %dma_wait3A_339 = arith.constant 0 : i32
      %dma_wait3A_340 = tpu.memref_slice %arg2[%dma_wait3A_338, %dma_wait3A_339] : memref<100000x128xf32, #tpu.memory_space<hbm>> -> memref<128x128xf32, #tpu.memory_space<hbm>>
      tpu.wait_dma2 semaphore(%arg10 : memref<!tpu.dma_semaphore, #tpu.memory_space<semaphore_mem>>) src(%dma_wait3A_340 : memref<128x128xf32, #tpu.memory_space<hbm>>) dst(%dma_wait3A_337 : memref<128x128xf32, #tpu.memory_space<vmem>>)
      %mul3A_341 = arith.constant 128 : i32
      %mul3A_342 = arith.muli %add3A_325, %mul3A_341 : i32
      %multiple_of3A_343 = tpu.assume_multiple %mul3A_342, 128 : i32
      %add3A_344 = arith.addi %multiple_of3A, %multiple_of3A_343 : i32
      %dma_start3A_345 = arith.constant 3 : i32
      %dma_start3A_346 = arith.constant 0 : i32
      %dma_start3A_347 = arith.constant 0 : i32
      %dma_start3A_348 = tpu.memref_slice %arg6[%dma_start3A_345, %dma_start3A_346, %dma_start3A_347] : memref<6x128x128xf32, #tpu.memory_space<vmem>> -> memref<1x128x128xf32, #tpu.memory_space<vmem>>
      %dma_start3A_349 = tpu.memref_squeeze %dma_start3A_348 : memref<1x128x128xf32, #tpu.memory_space<vmem>> -> memref<128x128xf32, #tpu.memory_space<vmem>>
      %dma_start3A_350 = arith.constant 0 : i32
      %dma_start3A_351 = tpu.memref_slice %arg4[%add3A_344, %dma_start3A_350] : memref<819200x128xf32, #tpu.memory_space<hbm>> -> memref<128x128xf32, #tpu.memory_space<hbm>>
      %dma_start3A_352 = arith.constant 0 : i32
      %dma_start3A_353 = tpu.memref_slice %arg4[%add3A_344, %dma_start3A_352] : memref<819200x128xf32, #tpu.memory_space<hbm>> -> memref<128x128xf32, #tpu.memory_space<hbm>>
      %dma_start3A_354 = arith.constant 0 : i32
      %dma_start3A_355 = arith.constant 0 : i32
      %dma_start3A_356 = tpu.memref_slice %arg6[%dma_start3A_345, %dma_start3A_354, %dma_start3A_355] : memref<6x128x128xf32, #tpu.memory_space<vmem>> -> memref<1x128x128xf32, #tpu.memory_space<vmem>>
      %dma_start3A_357 = tpu.memref_squeeze %dma_start3A_356 : memref<1x128x128xf32, #tpu.memory_space<vmem>> -> memref<128x128xf32, #tpu.memory_space<vmem>>
      tpu.enqueue_dma source(%dma_start3A_357 : memref<128x128xf32, #tpu.memory_space<vmem>>) target(%dma_start3A_353 : memref<128x128xf32, #tpu.memory_space<hbm>>) target_semaphore(%arg16 : memref<!tpu.dma_semaphore, #tpu.memory_space<semaphore_mem>>)
      %ge3A_358 = arith.constant 3 : i32
      %ge3A_359 = arith.cmpi sge, %add3A_325, %ge3A_358 : i32
      %convert_element_type3A_360 = arith.extui %ge3A_359 : i1 to i32
      %cond3A_361 = arith.constant 0 : i32
      %cond3A_362 = arith.cmpi ne, %convert_element_type3A_360, %cond3A_361 : i32
      scf.if %cond3A_362 {
        %sub3A = arith.constant 3 : i32
        %sub3A_466 = arith.subi %add3A_325, %sub3A : i32
        %mul3A_467 = arith.constant 128 : i32
        %mul3A_468 = arith.muli %sub3A_466, %mul3A_467 : i32
        %multiple_of3A_469 = tpu.assume_multiple %mul3A_468, 128 : i32
        %add3A_470 = arith.addi %multiple_of3A, %multiple_of3A_469 : i32
        %dma_wait3A_471 = arith.constant 0 : i32
        %dma_wait3A_472 = arith.constant 0 : i32
        %dma_wait3A_473 = arith.constant 0 : i32
        %dma_wait3A_474 = tpu.memref_slice %arg6[%dma_wait3A_471, %dma_wait3A_472, %dma_wait3A_473] : memref<6x128x128xf32, #tpu.memory_space<vmem>> -> memref<1x128x128xf32, #tpu.memory_space<vmem>>
        %dma_wait3A_475 = tpu.memref_squeeze %dma_wait3A_474 : memref<1x128x128xf32, #tpu.memory_space<vmem>> -> memref<128x128xf32, #tpu.memory_space<vmem>>
        %dma_wait3A_476 = arith.constant 0 : i32
        %dma_wait3A_477 = tpu.memref_slice %arg4[%add3A_470, %dma_wait3A_476] : memref<819200x128xf32, #tpu.memory_space<hbm>> -> memref<128x128xf32, #tpu.memory_space<hbm>>
        %dma_wait3A_478 = arith.constant 0 : i32
        %dma_wait3A_479 = tpu.memref_slice %arg4[%add3A_470, %dma_wait3A_478] : memref<819200x128xf32, #tpu.memory_space<hbm>> -> memref<128x128xf32, #tpu.memory_space<hbm>>
        %dma_wait3A_480 = arith.constant 0 : i32
        %dma_wait3A_481 = arith.constant 0 : i32
        %dma_wait3A_482 = tpu.memref_slice %arg6[%dma_wait3A_471, %dma_wait3A_480, %dma_wait3A_481] : memref<6x128x128xf32, #tpu.memory_space<vmem>> -> memref<1x128x128xf32, #tpu.memory_space<vmem>>
        %dma_wait3A_483 = tpu.memref_squeeze %dma_wait3A_482 : memref<1x128x128xf32, #tpu.memory_space<vmem>> -> memref<128x128xf32, #tpu.memory_space<vmem>>
        tpu.wait_dma2 semaphore(%arg13 : memref<!tpu.dma_semaphore, #tpu.memory_space<semaphore_mem>>) src(%dma_wait3A_483 : memref<128x128xf32, #tpu.memory_space<vmem>>) dst(%dma_wait3A_479 : memref<128x128xf32, #tpu.memory_space<hbm>>)
      } else {
      }
      %add3A_363 = arith.constant 3 : i32
      %add3A_364 = arith.addi %add3A_325, %add3A_363 : i32
      %lt3A_365 = arith.constant 200 : i32
      %lt3A_366 = arith.cmpi slt, %add3A_364, %lt3A_365 : i32
      %convert_element_type3A_367 = arith.extui %lt3A_366 : i1 to i32
      %cond3A_368 = arith.constant 0 : i32
      %cond3A_369 = arith.cmpi ne, %convert_element_type3A_367, %cond3A_368 : i32
      scf.if %cond3A_369 {
        %add3A_466 = arith.constant 3 : i32
        %add3A_467 = arith.addi %add3A_325, %add3A_466 : i32
        %mul3A_468 = arith.constant 128 : i32
        %mul3A_469 = arith.muli %add3A_467, %mul3A_468 : i32
        %multiple_of3A_470 = tpu.assume_multiple %mul3A_469, 128 : i32
        %dma_start3A_471 = arith.constant 0 : i32
        %dma_start3A_472 = arith.constant 0 : i32
        %dma_start3A_473 = arith.constant 0 : i32
        %dma_start3A_474 = tpu.memref_slice %arg6[%dma_start3A_471, %dma_start3A_472, %dma_start3A_473] : memref<6x128x128xf32, #tpu.memory_space<vmem>> -> memref<1x128x128xf32, #tpu.memory_space<vmem>>
        %dma_start3A_475 = tpu.memref_squeeze %dma_start3A_474 : memref<1x128x128xf32, #tpu.memory_space<vmem>> -> memref<128x128xf32, #tpu.memory_space<vmem>>
        %dma_start3A_476 = tpu.memref_slice %arg5[%multiple_of3A_470] : memref<25600xi32, #tpu.memory_space<vmem>> -> memref<128xi32, #tpu.memory_space<vmem>>
        %dma_start3A_477 = arith.constant 0 : i32
        %dma_start3A_478 = arith.constant 0 : i32
        %dma_start3A_479 = tpu.memref_slice %arg2[%dma_start3A_477, %dma_start3A_478] : memref<100000x128xf32, #tpu.memory_space<hbm>> -> memref<100000x128xf32, #tpu.memory_space<hbm>>
        tpu.enqueue_indirect_dma source(%dma_start3A_479 : memref<100000x128xf32, #tpu.memory_space<hbm>>) target(%dma_start3A_475 : memref<128x128xf32, #tpu.memory_space<vmem>>) offsets(%dma_start3A_476 : memref<128xi32, #tpu.memory_space<vmem>>) semaphore(%arg7 : memref<!tpu.dma_semaphore, #tpu.memory_space<semaphore_mem>>)
      } else {
      }
      %mul3A_370 = arith.constant 6 : i32
      %mul3A_371 = arith.muli %scan3A_181, %mul3A_370 : i32
      %add3A_372 = arith.constant 4 : i32
      %add3A_373 = arith.addi %mul3A_371, %add3A_372 : i32
      %dma_wait3A_374 = arith.constant 4 : i32
      %dma_wait3A_375 = arith.constant 0 : i32
      %dma_wait3A_376 = arith.constant 0 : i32
      %dma_wait3A_377 = tpu.memref_slice %arg6[%dma_wait3A_374, %dma_wait3A_375, %dma_wait3A_376] : memref<6x128x128xf32, #tpu.memory_space<vmem>> -> memref<1x128x128xf32, #tpu.memory_space<vmem>>
      %dma_wait3A_378 = tpu.memref_squeeze %dma_wait3A_377 : memref<1x128x128xf32, #tpu.memory_space<vmem>> -> memref<128x128xf32, #tpu.memory_space<vmem>>
      %dma_wait3A_379 = arith.constant 0 : i32
      %dma_wait3A_380 = arith.constant 0 : i32
      %dma_wait3A_381 = tpu.memref_slice %arg2[%dma_wait3A_379, %dma_wait3A_380] : memref<100000x128xf32, #tpu.memory_space<hbm>> -> memref<128x128xf32, #tpu.memory_space<hbm>>
      %dma_wait3A_382 = arith.constant 0 : i32
      %dma_wait3A_383 = arith.constant 0 : i32
      %dma_wait3A_384 = tpu.memref_slice %arg6[%dma_wait3A_374, %dma_wait3A_382, %dma_wait3A_383] : memref<6x128x128xf32, #tpu.memory_space<vmem>> -> memref<1x128x128xf32, #tpu.memory_space<vmem>>
      %dma_wait3A_385 = tpu.memref_squeeze %dma_wait3A_384 : memref<1x128x128xf32, #tpu.memory_space<vmem>> -> memref<128x128xf32, #tpu.memory_space<vmem>>
      %dma_wait3A_386 = arith.constant 0 : i32
      %dma_wait3A_387 = arith.constant 0 : i32
      %dma_wait3A_388 = tpu.memref_slice %arg2[%dma_wait3A_386, %dma_wait3A_387] : memref<100000x128xf32, #tpu.memory_space<hbm>> -> memref<128x128xf32, #tpu.memory_space<hbm>>
      tpu.wait_dma2 semaphore(%arg11 : memref<!tpu.dma_semaphore, #tpu.memory_space<semaphore_mem>>) src(%dma_wait3A_388 : memref<128x128xf32, #tpu.memory_space<hbm>>) dst(%dma_wait3A_385 : memref<128x128xf32, #tpu.memory_space<vmem>>)
      %mul3A_389 = arith.constant 128 : i32
      %mul3A_390 = arith.muli %add3A_373, %mul3A_389 : i32
      %multiple_of3A_391 = tpu.assume_multiple %mul3A_390, 128 : i32
      %add3A_392 = arith.addi %multiple_of3A, %multiple_of3A_391 : i32
      %dma_start3A_393 = arith.constant 4 : i32
      %dma_start3A_394 = arith.constant 0 : i32
      %dma_start3A_395 = arith.constant 0 : i32
      %dma_start3A_396 = tpu.memref_slice %arg6[%dma_start3A_393, %dma_start3A_394, %dma_start3A_395] : memref<6x128x128xf32, #tpu.memory_space<vmem>> -> memref<1x128x128xf32, #tpu.memory_space<vmem>>
      %dma_start3A_397 = tpu.memref_squeeze %dma_start3A_396 : memref<1x128x128xf32, #tpu.memory_space<vmem>> -> memref<128x128xf32, #tpu.memory_space<vmem>>
      %dma_start3A_398 = arith.constant 0 : i32
      %dma_start3A_399 = tpu.memref_slice %arg4[%add3A_392, %dma_start3A_398] : memref<819200x128xf32, #tpu.memory_space<hbm>> -> memref<128x128xf32, #tpu.memory_space<hbm>>
      %dma_start3A_400 = arith.constant 0 : i32
      %dma_start3A_401 = tpu.memref_slice %arg4[%add3A_392, %dma_start3A_400] : memref<819200x128xf32, #tpu.memory_space<hbm>> -> memref<128x128xf32, #tpu.memory_space<hbm>>
      %dma_start3A_402 = arith.constant 0 : i32
      %dma_start3A_403 = arith.constant 0 : i32
      %dma_start3A_404 = tpu.memref_slice %arg6[%dma_start3A_393, %dma_start3A_402, %dma_start3A_403] : memref<6x128x128xf32, #tpu.memory_space<vmem>> -> memref<1x128x128xf32, #tpu.memory_space<vmem>>
      %dma_start3A_405 = tpu.memref_squeeze %dma_start3A_404 : memref<1x128x128xf32, #tpu.memory_space<vmem>> -> memref<128x128xf32, #tpu.memory_space<vmem>>
      tpu.enqueue_dma source(%dma_start3A_405 : memref<128x128xf32, #tpu.memory_space<vmem>>) target(%dma_start3A_401 : memref<128x128xf32, #tpu.memory_space<hbm>>) target_semaphore(%arg17 : memref<!tpu.dma_semaphore, #tpu.memory_space<semaphore_mem>>)
      %ge3A_406 = arith.constant 3 : i32
      %ge3A_407 = arith.cmpi sge, %add3A_373, %ge3A_406 : i32
      %convert_element_type3A_408 = arith.extui %ge3A_407 : i1 to i32
      %cond3A_409 = arith.constant 0 : i32
      %cond3A_410 = arith.cmpi ne, %convert_element_type3A_408, %cond3A_409 : i32
      scf.if %cond3A_410 {
        %sub3A = arith.constant 3 : i32
        %sub3A_466 = arith.subi %add3A_373, %sub3A : i32
        %mul3A_467 = arith.constant 128 : i32
        %mul3A_468 = arith.muli %sub3A_466, %mul3A_467 : i32
        %multiple_of3A_469 = tpu.assume_multiple %mul3A_468, 128 : i32
        %add3A_470 = arith.addi %multiple_of3A, %multiple_of3A_469 : i32
        %dma_wait3A_471 = arith.constant 1 : i32
        %dma_wait3A_472 = arith.constant 0 : i32
        %dma_wait3A_473 = arith.constant 0 : i32
        %dma_wait3A_474 = tpu.memref_slice %arg6[%dma_wait3A_471, %dma_wait3A_472, %dma_wait3A_473] : memref<6x128x128xf32, #tpu.memory_space<vmem>> -> memref<1x128x128xf32, #tpu.memory_space<vmem>>
        %dma_wait3A_475 = tpu.memref_squeeze %dma_wait3A_474 : memref<1x128x128xf32, #tpu.memory_space<vmem>> -> memref<128x128xf32, #tpu.memory_space<vmem>>
        %dma_wait3A_476 = arith.constant 0 : i32
        %dma_wait3A_477 = tpu.memref_slice %arg4[%add3A_470, %dma_wait3A_476] : memref<819200x128xf32, #tpu.memory_space<hbm>> -> memref<128x128xf32, #tpu.memory_space<hbm>>
        %dma_wait3A_478 = arith.constant 0 : i32
        %dma_wait3A_479 = tpu.memref_slice %arg4[%add3A_470, %dma_wait3A_478] : memref<819200x128xf32, #tpu.memory_space<hbm>> -> memref<128x128xf32, #tpu.memory_space<hbm>>
        %dma_wait3A_480 = arith.constant 0 : i32
        %dma_wait3A_481 = arith.constant 0 : i32
        %dma_wait3A_482 = tpu.memref_slice %arg6[%dma_wait3A_471, %dma_wait3A_480, %dma_wait3A_481] : memref<6x128x128xf32, #tpu.memory_space<vmem>> -> memref<1x128x128xf32, #tpu.memory_space<vmem>>
        %dma_wait3A_483 = tpu.memref_squeeze %dma_wait3A_482 : memref<1x128x128xf32, #tpu.memory_space<vmem>> -> memref<128x128xf32, #tpu.memory_space<vmem>>
        tpu.wait_dma2 semaphore(%arg14 : memref<!tpu.dma_semaphore, #tpu.memory_space<semaphore_mem>>) src(%dma_wait3A_483 : memref<128x128xf32, #tpu.memory_space<vmem>>) dst(%dma_wait3A_479 : memref<128x128xf32, #tpu.memory_space<hbm>>)
      } else {
      }
      %add3A_411 = arith.constant 3 : i32
      %add3A_412 = arith.addi %add3A_373, %add3A_411 : i32
      %lt3A_413 = arith.constant 200 : i32
      %lt3A_414 = arith.cmpi slt, %add3A_412, %lt3A_413 : i32
      %convert_element_type3A_415 = arith.extui %lt3A_414 : i1 to i32
      %cond3A_416 = arith.constant 0 : i32
      %cond3A_417 = arith.cmpi ne, %convert_element_type3A_415, %cond3A_416 : i32
      scf.if %cond3A_417 {
        %add3A_466 = arith.constant 3 : i32
        %add3A_467 = arith.addi %add3A_373, %add3A_466 : i32
        %mul3A_468 = arith.constant 128 : i32
        %mul3A_469 = arith.muli %add3A_467, %mul3A_468 : i32
        %multiple_of3A_470 = tpu.assume_multiple %mul3A_469, 128 : i32
        %dma_start3A_471 = arith.constant 1 : i32
        %dma_start3A_472 = arith.constant 0 : i32
        %dma_start3A_473 = arith.constant 0 : i32
        %dma_start3A_474 = tpu.memref_slice %arg6[%dma_start3A_471, %dma_start3A_472, %dma_start3A_473] : memref<6x128x128xf32, #tpu.memory_space<vmem>> -> memref<1x128x128xf32, #tpu.memory_space<vmem>>
        %dma_start3A_475 = tpu.memref_squeeze %dma_start3A_474 : memref<1x128x128xf32, #tpu.memory_space<vmem>> -> memref<128x128xf32, #tpu.memory_space<vmem>>
        %dma_start3A_476 = tpu.memref_slice %arg5[%multiple_of3A_470] : memref<25600xi32, #tpu.memory_space<vmem>> -> memref<128xi32, #tpu.memory_space<vmem>>
        %dma_start3A_477 = arith.constant 0 : i32
        %dma_start3A_478 = arith.constant 0 : i32
        %dma_start3A_479 = tpu.memref_slice %arg2[%dma_start3A_477, %dma_start3A_478] : memref<100000x128xf32, #tpu.memory_space<hbm>> -> memref<100000x128xf32, #tpu.memory_space<hbm>>
        tpu.enqueue_indirect_dma source(%dma_start3A_479 : memref<100000x128xf32, #tpu.memory_space<hbm>>) target(%dma_start3A_475 : memref<128x128xf32, #tpu.memory_space<vmem>>) offsets(%dma_start3A_476 : memref<128xi32, #tpu.memory_space<vmem>>) semaphore(%arg8 : memref<!tpu.dma_semaphore, #tpu.memory_space<semaphore_mem>>)
      } else {
      }
      %mul3A_418 = arith.constant 6 : i32
      %mul3A_419 = arith.muli %scan3A_181, %mul3A_418 : i32
      %add3A_420 = arith.constant 5 : i32
      %add3A_421 = arith.addi %mul3A_419, %add3A_420 : i32
      %dma_wait3A_422 = arith.constant 5 : i32
      %dma_wait3A_423 = arith.constant 0 : i32
      %dma_wait3A_424 = arith.constant 0 : i32
      %dma_wait3A_425 = tpu.memref_slice %arg6[%dma_wait3A_422, %dma_wait3A_423, %dma_wait3A_424] : memref<6x128x128xf32, #tpu.memory_space<vmem>> -> memref<1x128x128xf32, #tpu.memory_space<vmem>>
      %dma_wait3A_426 = tpu.memref_squeeze %dma_wait3A_425 : memref<1x128x128xf32, #tpu.memory_space<vmem>> -> memref<128x128xf32, #tpu.memory_space<vmem>>
      %dma_wait3A_427 = arith.constant 0 : i32
      %dma_wait3A_428 = arith.constant 0 : i32
      %dma_wait3A_429 = tpu.memref_slice %arg2[%dma_wait3A_427, %dma_wait3A_428] : memref<100000x128xf32, #tpu.memory_space<hbm>> -> memref<128x128xf32, #tpu.memory_space<hbm>>
      %dma_wait3A_430 = arith.constant 0 : i32
      %dma_wait3A_431 = arith.constant 0 : i32
      %dma_wait3A_432 = tpu.memref_slice %arg6[%dma_wait3A_422, %dma_wait3A_430, %dma_wait3A_431] : memref<6x128x128xf32, #tpu.memory_space<vmem>> -> memref<1x128x128xf32, #tpu.memory_space<vmem>>
      %dma_wait3A_433 = tpu.memref_squeeze %dma_wait3A_432 : memref<1x128x128xf32, #tpu.memory_space<vmem>> -> memref<128x128xf32, #tpu.memory_space<vmem>>
      %dma_wait3A_434 = arith.constant 0 : i32
      %dma_wait3A_435 = arith.constant 0 : i32
      %dma_wait3A_436 = tpu.memref_slice %arg2[%dma_wait3A_434, %dma_wait3A_435] : memref<100000x128xf32, #tpu.memory_space<hbm>> -> memref<128x128xf32, #tpu.memory_space<hbm>>
      tpu.wait_dma2 semaphore(%arg12 : memref<!tpu.dma_semaphore, #tpu.memory_space<semaphore_mem>>) src(%dma_wait3A_436 : memref<128x128xf32, #tpu.memory_space<hbm>>) dst(%dma_wait3A_433 : memref<128x128xf32, #tpu.memory_space<vmem>>)
      %mul3A_437 = arith.constant 128 : i32
      %mul3A_438 = arith.muli %add3A_421, %mul3A_437 : i32
      %multiple_of3A_439 = tpu.assume_multiple %mul3A_438, 128 : i32
      %add3A_440 = arith.addi %multiple_of3A, %multiple_of3A_439 : i32
      %dma_start3A_441 = arith.constant 5 : i32
      %dma_start3A_442 = arith.constant 0 : i32
      %dma_start3A_443 = arith.constant 0 : i32
      %dma_start3A_444 = tpu.memref_slice %arg6[%dma_start3A_441, %dma_start3A_442, %dma_start3A_443] : memref<6x128x128xf32, #tpu.memory_space<vmem>> -> memref<1x128x128xf32, #tpu.memory_space<vmem>>
      %dma_start3A_445 = tpu.memref_squeeze %dma_start3A_444 : memref<1x128x128xf32, #tpu.memory_space<vmem>> -> memref<128x128xf32, #tpu.memory_space<vmem>>
      %dma_start3A_446 = arith.constant 0 : i32
      %dma_start3A_447 = tpu.memref_slice %arg4[%add3A_440, %dma_start3A_446] : memref<819200x128xf32, #tpu.memory_space<hbm>> -> memref<128x128xf32, #tpu.memory_space<hbm>>
      %dma_start3A_448 = arith.constant 0 : i32
      %dma_start3A_449 = tpu.memref_slice %arg4[%add3A_440, %dma_start3A_448] : memref<819200x128xf32, #tpu.memory_space<hbm>> -> memref<128x128xf32, #tpu.memory_space<hbm>>
      %dma_start3A_450 = arith.constant 0 : i32
      %dma_start3A_451 = arith.constant 0 : i32
      %dma_start3A_452 = tpu.memref_slice %arg6[%dma_start3A_441, %dma_start3A_450, %dma_start3A_451] : memref<6x128x128xf32, #tpu.memory_space<vmem>> -> memref<1x128x128xf32, #tpu.memory_space<vmem>>
      %dma_start3A_453 = tpu.memref_squeeze %dma_start3A_452 : memref<1x128x128xf32, #tpu.memory_space<vmem>> -> memref<128x128xf32, #tpu.memory_space<vmem>>
      tpu.enqueue_dma source(%dma_start3A_453 : memref<128x128xf32, #tpu.memory_space<vmem>>) target(%dma_start3A_449 : memref<128x128xf32, #tpu.memory_space<hbm>>) target_semaphore(%arg18 : memref<!tpu.dma_semaphore, #tpu.memory_space<semaphore_mem>>)
      %ge3A_454 = arith.constant 3 : i32
      %ge3A_455 = arith.cmpi sge, %add3A_421, %ge3A_454 : i32
      %convert_element_type3A_456 = arith.extui %ge3A_455 : i1 to i32
      %cond3A_457 = arith.constant 0 : i32
      %cond3A_458 = arith.cmpi ne, %convert_element_type3A_456, %cond3A_457 : i32
      scf.if %cond3A_458 {
        %sub3A = arith.constant 3 : i32
        %sub3A_466 = arith.subi %add3A_421, %sub3A : i32
        %mul3A_467 = arith.constant 128 : i32
        %mul3A_468 = arith.muli %sub3A_466, %mul3A_467 : i32
        %multiple_of3A_469 = tpu.assume_multiple %mul3A_468, 128 : i32
        %add3A_470 = arith.addi %multiple_of3A, %multiple_of3A_469 : i32
        %dma_wait3A_471 = arith.constant 2 : i32
        %dma_wait3A_472 = arith.constant 0 : i32
        %dma_wait3A_473 = arith.constant 0 : i32
        %dma_wait3A_474 = tpu.memref_slice %arg6[%dma_wait3A_471, %dma_wait3A_472, %dma_wait3A_473] : memref<6x128x128xf32, #tpu.memory_space<vmem>> -> memref<1x128x128xf32, #tpu.memory_space<vmem>>
        %dma_wait3A_475 = tpu.memref_squeeze %dma_wait3A_474 : memref<1x128x128xf32, #tpu.memory_space<vmem>> -> memref<128x128xf32, #tpu.memory_space<vmem>>
        %dma_wait3A_476 = arith.constant 0 : i32
        %dma_wait3A_477 = tpu.memref_slice %arg4[%add3A_470, %dma_wait3A_476] : memref<819200x128xf32, #tpu.memory_space<hbm>> -> memref<128x128xf32, #tpu.memory_space<hbm>>
        %dma_wait3A_478 = arith.constant 0 : i32
        %dma_wait3A_479 = tpu.memref_slice %arg4[%add3A_470, %dma_wait3A_478] : memref<819200x128xf32, #tpu.memory_space<hbm>> -> memref<128x128xf32, #tpu.memory_space<hbm>>
        %dma_wait3A_480 = arith.constant 0 : i32
        %dma_wait3A_481 = arith.constant 0 : i32
        %dma_wait3A_482 = tpu.memref_slice %arg6[%dma_wait3A_471, %dma_wait3A_480, %dma_wait3A_481] : memref<6x128x128xf32, #tpu.memory_space<vmem>> -> memref<1x128x128xf32, #tpu.memory_space<vmem>>
        %dma_wait3A_483 = tpu.memref_squeeze %dma_wait3A_482 : memref<1x128x128xf32, #tpu.memory_space<vmem>> -> memref<128x128xf32, #tpu.memory_space<vmem>>
        tpu.wait_dma2 semaphore(%arg15 : memref<!tpu.dma_semaphore, #tpu.memory_space<semaphore_mem>>) src(%dma_wait3A_483 : memref<128x128xf32, #tpu.memory_space<vmem>>) dst(%dma_wait3A_479 : memref<128x128xf32, #tpu.memory_space<hbm>>)
      } else {
      }
      %add3A_459 = arith.constant 3 : i32
      %add3A_460 = arith.addi %add3A_421, %add3A_459 : i32
      %lt3A_461 = arith.constant 200 : i32
      %lt3A_462 = arith.cmpi slt, %add3A_460, %lt3A_461 : i32
      %convert_element_type3A_463 = arith.extui %lt3A_462 : i1 to i32
      %cond3A_464 = arith.constant 0 : i32
      %cond3A_465 = arith.cmpi ne, %convert_element_type3A_463, %cond3A_464 : i32
      scf.if %cond3A_465 {
        %add3A_466 = arith.constant 3 : i32
        %add3A_467 = arith.addi %add3A_421, %add3A_466 : i32
        %mul3A_468 = arith.constant 128 : i32
        %mul3A_469 = arith.muli %add3A_467, %mul3A_468 : i32
        %multiple_of3A_470 = tpu.assume_multiple %mul3A_469, 128 : i32
        %dma_start3A_471 = arith.constant 2 : i32
        %dma_start3A_472 = arith.constant 0 : i32
        %dma_start3A_473 = arith.constant 0 : i32
        %dma_start3A_474 = tpu.memref_slice %arg6[%dma_start3A_471, %dma_start3A_472, %dma_start3A_473] : memref<6x128x128xf32, #tpu.memory_space<vmem>> -> memref<1x128x128xf32, #tpu.memory_space<vmem>>
        %dma_start3A_475 = tpu.memref_squeeze %dma_start3A_474 : memref<1x128x128xf32, #tpu.memory_space<vmem>> -> memref<128x128xf32, #tpu.memory_space<vmem>>
        %dma_start3A_476 = tpu.memref_slice %arg5[%multiple_of3A_470] : memref<25600xi32, #tpu.memory_space<vmem>> -> memref<128xi32, #tpu.memory_space<vmem>>
        %dma_start3A_477 = arith.constant 0 : i32
        %dma_start3A_478 = arith.constant 0 : i32
        %dma_start3A_479 = tpu.memref_slice %arg2[%dma_start3A_477, %dma_start3A_478] : memref<100000x128xf32, #tpu.memory_space<hbm>> -> memref<100000x128xf32, #tpu.memory_space<hbm>>
        tpu.enqueue_indirect_dma source(%dma_start3A_479 : memref<100000x128xf32, #tpu.memory_space<hbm>>) target(%dma_start3A_475 : memref<128x128xf32, #tpu.memory_space<vmem>>) offsets(%dma_start3A_476 : memref<128xi32, #tpu.memory_space<vmem>>) semaphore(%arg9 : memref<!tpu.dma_semaphore, #tpu.memory_space<semaphore_mem>>)
      } else {
      }
    }
    %scan3A_39 = arith.constant 33 : i32
    %dma_wait3A = arith.constant 0 : i32
    %dma_wait3A_40 = arith.constant 0 : i32
    %dma_wait3A_41 = arith.constant 0 : i32
    %dma_wait3A_42 = tpu.memref_slice %arg6[%dma_wait3A, %dma_wait3A_40, %dma_wait3A_41] : memref<6x128x128xf32, #tpu.memory_space<vmem>> -> memref<1x128x128xf32, #tpu.memory_space<vmem>>
    %dma_wait3A_43 = tpu.memref_squeeze %dma_wait3A_42 : memref<1x128x128xf32, #tpu.memory_space<vmem>> -> memref<128x128xf32, #tpu.memory_space<vmem>>
    %dma_wait3A_44 = arith.constant 0 : i32
    %dma_wait3A_45 = arith.constant 0 : i32
    %dma_wait3A_46 = tpu.memref_slice %arg2[%dma_wait3A_44, %dma_wait3A_45] : memref<100000x128xf32, #tpu.memory_space<hbm>> -> memref<128x128xf32, #tpu.memory_space<hbm>>
    %dma_wait3A_47 = arith.constant 0 : i32
    %dma_wait3A_48 = arith.constant 0 : i32
    %dma_wait3A_49 = tpu.memref_slice %arg6[%dma_wait3A, %dma_wait3A_47, %dma_wait3A_48] : memref<6x128x128xf32, #tpu.memory_space<vmem>> -> memref<1x128x128xf32, #tpu.memory_space<vmem>>
    %dma_wait3A_50 = tpu.memref_squeeze %dma_wait3A_49 : memref<1x128x128xf32, #tpu.memory_space<vmem>> -> memref<128x128xf32, #tpu.memory_space<vmem>>
    %dma_wait3A_51 = arith.constant 0 : i32
    %dma_wait3A_52 = arith.constant 0 : i32
    %dma_wait3A_53 = tpu.memref_slice %arg2[%dma_wait3A_51, %dma_wait3A_52] : memref<100000x128xf32, #tpu.memory_space<hbm>> -> memref<128x128xf32, #tpu.memory_space<hbm>>
    tpu.wait_dma2 semaphore(%arg7 : memref<!tpu.dma_semaphore, #tpu.memory_space<semaphore_mem>>) src(%dma_wait3A_53 : memref<128x128xf32, #tpu.memory_space<hbm>>) dst(%dma_wait3A_50 : memref<128x128xf32, #tpu.memory_space<vmem>>)
    %multiple_of3A_54 = arith.constant 25344 : i32
    %multiple_of3A_55 = tpu.assume_multiple %multiple_of3A_54, 128 : i32
    %add3A_56 = arith.addi %multiple_of3A, %multiple_of3A_55 : i32
    %dma_start3A_57 = arith.constant 0 : i32
    %dma_start3A_58 = arith.constant 0 : i32
    %dma_start3A_59 = arith.constant 0 : i32
    %dma_start3A_60 = tpu.memref_slice %arg6[%dma_start3A_57, %dma_start3A_58, %dma_start3A_59] : memref<6x128x128xf32, #tpu.memory_space<vmem>> -> memref<1x128x128xf32, #tpu.memory_space<vmem>>
    %dma_start3A_61 = tpu.memref_squeeze %dma_start3A_60 : memref<1x128x128xf32, #tpu.memory_space<vmem>> -> memref<128x128xf32, #tpu.memory_space<vmem>>
    %dma_start3A_62 = arith.constant 0 : i32
    %dma_start3A_63 = tpu.memref_slice %arg4[%add3A_56, %dma_start3A_62] : memref<819200x128xf32, #tpu.memory_space<hbm>> -> memref<128x128xf32, #tpu.memory_space<hbm>>
    %dma_start3A_64 = arith.constant 0 : i32
    %dma_start3A_65 = tpu.memref_slice %arg4[%add3A_56, %dma_start3A_64] : memref<819200x128xf32, #tpu.memory_space<hbm>> -> memref<128x128xf32, #tpu.memory_space<hbm>>
    %dma_start3A_66 = arith.constant 0 : i32
    %dma_start3A_67 = arith.constant 0 : i32
    %dma_start3A_68 = tpu.memref_slice %arg6[%dma_start3A_57, %dma_start3A_66, %dma_start3A_67] : memref<6x128x128xf32, #tpu.memory_space<vmem>> -> memref<1x128x128xf32, #tpu.memory_space<vmem>>
    %dma_start3A_69 = tpu.memref_squeeze %dma_start3A_68 : memref<1x128x128xf32, #tpu.memory_space<vmem>> -> memref<128x128xf32, #tpu.memory_space<vmem>>
    tpu.enqueue_dma source(%dma_start3A_69 : memref<128x128xf32, #tpu.memory_space<vmem>>) target(%dma_start3A_65 : memref<128x128xf32, #tpu.memory_space<hbm>>) target_semaphore(%arg13 : memref<!tpu.dma_semaphore, #tpu.memory_space<semaphore_mem>>)
    %multiple_of3A_70 = arith.constant 24960 : i32
    %multiple_of3A_71 = tpu.assume_multiple %multiple_of3A_70, 128 : i32
    %add3A_72 = arith.addi %multiple_of3A, %multiple_of3A_71 : i32
    %dma_wait3A_73 = arith.constant 3 : i32
    %dma_wait3A_74 = arith.constant 0 : i32
    %dma_wait3A_75 = arith.constant 0 : i32
    %dma_wait3A_76 = tpu.memref_slice %arg6[%dma_wait3A_73, %dma_wait3A_74, %dma_wait3A_75] : memref<6x128x128xf32, #tpu.memory_space<vmem>> -> memref<1x128x128xf32, #tpu.memory_space<vmem>>
    %dma_wait3A_77 = tpu.memref_squeeze %dma_wait3A_76 : memref<1x128x128xf32, #tpu.memory_space<vmem>> -> memref<128x128xf32, #tpu.memory_space<vmem>>
    %dma_wait3A_78 = arith.constant 0 : i32
    %dma_wait3A_79 = tpu.memref_slice %arg4[%add3A_72, %dma_wait3A_78] : memref<819200x128xf32, #tpu.memory_space<hbm>> -> memref<128x128xf32, #tpu.memory_space<hbm>>
    %dma_wait3A_80 = arith.constant 0 : i32
    %dma_wait3A_81 = tpu.memref_slice %arg4[%add3A_72, %dma_wait3A_80] : memref<819200x128xf32, #tpu.memory_space<hbm>> -> memref<128x128xf32, #tpu.memory_space<hbm>>
    %dma_wait3A_82 = arith.constant 0 : i32
    %dma_wait3A_83 = arith.constant 0 : i32
    %dma_wait3A_84 = tpu.memref_slice %arg6[%dma_wait3A_73, %dma_wait3A_82, %dma_wait3A_83] : memref<6x128x128xf32, #tpu.memory_space<vmem>> -> memref<1x128x128xf32, #tpu.memory_space<vmem>>
    %dma_wait3A_85 = tpu.memref_squeeze %dma_wait3A_84 : memref<1x128x128xf32, #tpu.memory_space<vmem>> -> memref<128x128xf32, #tpu.memory_space<vmem>>
    tpu.wait_dma2 semaphore(%arg16 : memref<!tpu.dma_semaphore, #tpu.memory_space<semaphore_mem>>) src(%dma_wait3A_85 : memref<128x128xf32, #tpu.memory_space<vmem>>) dst(%dma_wait3A_81 : memref<128x128xf32, #tpu.memory_space<hbm>>)
    %dma_wait3A_86 = arith.constant 1 : i32
    %dma_wait3A_87 = arith.constant 0 : i32
    %dma_wait3A_88 = arith.constant 0 : i32
    %dma_wait3A_89 = tpu.memref_slice %arg6[%dma_wait3A_86, %dma_wait3A_87, %dma_wait3A_88] : memref<6x128x128xf32, #tpu.memory_space<vmem>> -> memref<1x128x128xf32, #tpu.memory_space<vmem>>
    %dma_wait3A_90 = tpu.memref_squeeze %dma_wait3A_89 : memref<1x128x128xf32, #tpu.memory_space<vmem>> -> memref<128x128xf32, #tpu.memory_space<vmem>>
    %dma_wait3A_91 = arith.constant 0 : i32
    %dma_wait3A_92 = arith.constant 0 : i32
    %dma_wait3A_93 = tpu.memref_slice %arg2[%dma_wait3A_91, %dma_wait3A_92] : memref<100000x128xf32, #tpu.memory_space<hbm>> -> memref<128x128xf32, #tpu.memory_space<hbm>>
    %dma_wait3A_94 = arith.constant 0 : i32
    %dma_wait3A_95 = arith.constant 0 : i32
    %dma_wait3A_96 = tpu.memref_slice %arg6[%dma_wait3A_86, %dma_wait3A_94, %dma_wait3A_95] : memref<6x128x128xf32, #tpu.memory_space<vmem>> -> memref<1x128x128xf32, #tpu.memory_space<vmem>>
    %dma_wait3A_97 = tpu.memref_squeeze %dma_wait3A_96 : memref<1x128x128xf32, #tpu.memory_space<vmem>> -> memref<128x128xf32, #tpu.memory_space<vmem>>
    %dma_wait3A_98 = arith.constant 0 : i32
    %dma_wait3A_99 = arith.constant 0 : i32
    %dma_wait3A_100 = tpu.memref_slice %arg2[%dma_wait3A_98, %dma_wait3A_99] : memref<100000x128xf32, #tpu.memory_space<hbm>> -> memref<128x128xf32, #tpu.memory_space<hbm>>
    tpu.wait_dma2 semaphore(%arg8 : memref<!tpu.dma_semaphore, #tpu.memory_space<semaphore_mem>>) src(%dma_wait3A_100 : memref<128x128xf32, #tpu.memory_space<hbm>>) dst(%dma_wait3A_97 : memref<128x128xf32, #tpu.memory_space<vmem>>)
    %multiple_of3A_101 = arith.constant 25472 : i32
    %multiple_of3A_102 = tpu.assume_multiple %multiple_of3A_101, 128 : i32
    %add3A_103 = arith.addi %multiple_of3A, %multiple_of3A_102 : i32
    %dma_start3A_104 = arith.constant 1 : i32
    %dma_start3A_105 = arith.constant 0 : i32
    %dma_start3A_106 = arith.constant 0 : i32
    %dma_start3A_107 = tpu.memref_slice %arg6[%dma_start3A_104, %dma_start3A_105, %dma_start3A_106] : memref<6x128x128xf32, #tpu.memory_space<vmem>> -> memref<1x128x128xf32, #tpu.memory_space<vmem>>
    %dma_start3A_108 = tpu.memref_squeeze %dma_start3A_107 : memref<1x128x128xf32, #tpu.memory_space<vmem>> -> memref<128x128xf32, #tpu.memory_space<vmem>>
    %dma_start3A_109 = arith.constant 0 : i32
    %dma_start3A_110 = tpu.memref_slice %arg4[%add3A_103, %dma_start3A_109] : memref<819200x128xf32, #tpu.memory_space<hbm>> -> memref<128x128xf32, #tpu.memory_space<hbm>>
    %dma_start3A_111 = arith.constant 0 : i32
    %dma_start3A_112 = tpu.memref_slice %arg4[%add3A_103, %dma_start3A_111] : memref<819200x128xf32, #tpu.memory_space<hbm>> -> memref<128x128xf32, #tpu.memory_space<hbm>>
    %dma_start3A_113 = arith.constant 0 : i32
    %dma_start3A_114 = arith.constant 0 : i32
    %dma_start3A_115 = tpu.memref_slice %arg6[%dma_start3A_104, %dma_start3A_113, %dma_start3A_114] : memref<6x128x128xf32, #tpu.memory_space<vmem>> -> memref<1x128x128xf32, #tpu.memory_space<vmem>>
    %dma_start3A_116 = tpu.memref_squeeze %dma_start3A_115 : memref<1x128x128xf32, #tpu.memory_space<vmem>> -> memref<128x128xf32, #tpu.memory_space<vmem>>
    tpu.enqueue_dma source(%dma_start3A_116 : memref<128x128xf32, #tpu.memory_space<vmem>>) target(%dma_start3A_112 : memref<128x128xf32, #tpu.memory_space<hbm>>) target_semaphore(%arg14 : memref<!tpu.dma_semaphore, #tpu.memory_space<semaphore_mem>>)
    %multiple_of3A_117 = arith.constant 25088 : i32
    %multiple_of3A_118 = tpu.assume_multiple %multiple_of3A_117, 128 : i32
    %add3A_119 = arith.addi %multiple_of3A, %multiple_of3A_118 : i32
    %dma_wait3A_120 = arith.constant 4 : i32
    %dma_wait3A_121 = arith.constant 0 : i32
    %dma_wait3A_122 = arith.constant 0 : i32
    %dma_wait3A_123 = tpu.memref_slice %arg6[%dma_wait3A_120, %dma_wait3A_121, %dma_wait3A_122] : memref<6x128x128xf32, #tpu.memory_space<vmem>> -> memref<1x128x128xf32, #tpu.memory_space<vmem>>
    %dma_wait3A_124 = tpu.memref_squeeze %dma_wait3A_123 : memref<1x128x128xf32, #tpu.memory_space<vmem>> -> memref<128x128xf32, #tpu.memory_space<vmem>>
    %dma_wait3A_125 = arith.constant 0 : i32
    %dma_wait3A_126 = tpu.memref_slice %arg4[%add3A_119, %dma_wait3A_125] : memref<819200x128xf32, #tpu.memory_space<hbm>> -> memref<128x128xf32, #tpu.memory_space<hbm>>
    %dma_wait3A_127 = arith.constant 0 : i32
    %dma_wait3A_128 = tpu.memref_slice %arg4[%add3A_119, %dma_wait3A_127] : memref<819200x128xf32, #tpu.memory_space<hbm>> -> memref<128x128xf32, #tpu.memory_space<hbm>>
    %dma_wait3A_129 = arith.constant 0 : i32
    %dma_wait3A_130 = arith.constant 0 : i32
    %dma_wait3A_131 = tpu.memref_slice %arg6[%dma_wait3A_120, %dma_wait3A_129, %dma_wait3A_130] : memref<6x128x128xf32, #tpu.memory_space<vmem>> -> memref<1x128x128xf32, #tpu.memory_space<vmem>>
    %dma_wait3A_132 = tpu.memref_squeeze %dma_wait3A_131 : memref<1x128x128xf32, #tpu.memory_space<vmem>> -> memref<128x128xf32, #tpu.memory_space<vmem>>
    tpu.wait_dma2 semaphore(%arg17 : memref<!tpu.dma_semaphore, #tpu.memory_space<semaphore_mem>>) src(%dma_wait3A_132 : memref<128x128xf32, #tpu.memory_space<vmem>>) dst(%dma_wait3A_128 : memref<128x128xf32, #tpu.memory_space<hbm>>)
    %multiple_of3A_133 = arith.constant 25216 : i32
    %multiple_of3A_134 = tpu.assume_multiple %multiple_of3A_133, 128 : i32
    %add3A_135 = arith.addi %multiple_of3A, %multiple_of3A_134 : i32
    %dma_wait3A_136 = arith.constant 5 : i32
    %dma_wait3A_137 = arith.constant 0 : i32
    %dma_wait3A_138 = arith.constant 0 : i32
    %dma_wait3A_139 = tpu.memref_slice %arg6[%dma_wait3A_136, %dma_wait3A_137, %dma_wait3A_138] : memref<6x128x128xf32, #tpu.memory_space<vmem>> -> memref<1x128x128xf32, #tpu.memory_space<vmem>>
    %dma_wait3A_140 = tpu.memref_squeeze %dma_wait3A_139 : memref<1x128x128xf32, #tpu.memory_space<vmem>> -> memref<128x128xf32, #tpu.memory_space<vmem>>
    %dma_wait3A_141 = arith.constant 0 : i32
    %dma_wait3A_142 = tpu.memref_slice %arg4[%add3A_135, %dma_wait3A_141] : memref<819200x128xf32, #tpu.memory_space<hbm>> -> memref<128x128xf32, #tpu.memory_space<hbm>>
    %dma_wait3A_143 = arith.constant 0 : i32
    %dma_wait3A_144 = tpu.memref_slice %arg4[%add3A_135, %dma_wait3A_143] : memref<819200x128xf32, #tpu.memory_space<hbm>> -> memref<128x128xf32, #tpu.memory_space<hbm>>
    %dma_wait3A_145 = arith.constant 0 : i32
    %dma_wait3A_146 = arith.constant 0 : i32
    %dma_wait3A_147 = tpu.memref_slice %arg6[%dma_wait3A_136, %dma_wait3A_145, %dma_wait3A_146] : memref<6x128x128xf32, #tpu.memory_space<vmem>> -> memref<1x128x128xf32, #tpu.memory_space<vmem>>
    %dma_wait3A_148 = tpu.memref_squeeze %dma_wait3A_147 : memref<1x128x128xf32, #tpu.memory_space<vmem>> -> memref<128x128xf32, #tpu.memory_space<vmem>>
    tpu.wait_dma2 semaphore(%arg18 : memref<!tpu.dma_semaphore, #tpu.memory_space<semaphore_mem>>) src(%dma_wait3A_148 : memref<128x128xf32, #tpu.memory_space<vmem>>) dst(%dma_wait3A_144 : memref<128x128xf32, #tpu.memory_space<hbm>>)
    %multiple_of3A_149 = arith.constant 25344 : i32
    %multiple_of3A_150 = tpu.assume_multiple %multiple_of3A_149, 128 : i32
    %add3A_151 = arith.addi %multiple_of3A, %multiple_of3A_150 : i32
    %dma_wait3A_152 = arith.constant 0 : i32
    %dma_wait3A_153 = arith.constant 0 : i32
    %dma_wait3A_154 = arith.constant 0 : i32
    %dma_wait3A_155 = tpu.memref_slice %arg6[%dma_wait3A_152, %dma_wait3A_153, %dma_wait3A_154] : memref<6x128x128xf32, #tpu.memory_space<vmem>> -> memref<1x128x128xf32, #tpu.memory_space<vmem>>
    %dma_wait3A_156 = tpu.memref_squeeze %dma_wait3A_155 : memref<1x128x128xf32, #tpu.memory_space<vmem>> -> memref<128x128xf32, #tpu.memory_space<vmem>>
    %dma_wait3A_157 = arith.constant 0 : i32
    %dma_wait3A_158 = tpu.memref_slice %arg4[%add3A_151, %dma_wait3A_157] : memref<819200x128xf32, #tpu.memory_space<hbm>> -> memref<128x128xf32, #tpu.memory_space<hbm>>
    %dma_wait3A_159 = arith.constant 0 : i32
    %dma_wait3A_160 = tpu.memref_slice %arg4[%add3A_151, %dma_wait3A_159] : memref<819200x128xf32, #tpu.memory_space<hbm>> -> memref<128x128xf32, #tpu.memory_space<hbm>>
    %dma_wait3A_161 = arith.constant 0 : i32
    %dma_wait3A_162 = arith.constant 0 : i32
    %dma_wait3A_163 = tpu.memref_slice %arg6[%dma_wait3A_152, %dma_wait3A_161, %dma_wait3A_162] : memref<6x128x128xf32, #tpu.memory_space<vmem>> -> memref<1x128x128xf32, #tpu.memory_space<vmem>>
    %dma_wait3A_164 = tpu.memref_squeeze %dma_wait3A_163 : memref<1x128x128xf32, #tpu.memory_space<vmem>> -> memref<128x128xf32, #tpu.memory_space<vmem>>
    tpu.wait_dma2 semaphore(%arg13 : memref<!tpu.dma_semaphore, #tpu.memory_space<semaphore_mem>>) src(%dma_wait3A_164 : memref<128x128xf32, #tpu.memory_space<vmem>>) dst(%dma_wait3A_160 : memref<128x128xf32, #tpu.memory_space<hbm>>)
    %multiple_of3A_165 = arith.constant 25472 : i32
    %multiple_of3A_166 = tpu.assume_multiple %multiple_of3A_165, 128 : i32
    %add3A_167 = arith.addi %multiple_of3A, %multiple_of3A_166 : i32
    %dma_wait3A_168 = arith.constant 1 : i32
    %dma_wait3A_169 = arith.constant 0 : i32
    %dma_wait3A_170 = arith.constant 0 : i32
    %dma_wait3A_171 = tpu.memref_slice %arg6[%dma_wait3A_168, %dma_wait3A_169, %dma_wait3A_170] : memref<6x128x128xf32, #tpu.memory_space<vmem>> -> memref<1x128x128xf32, #tpu.memory_space<vmem>>
    %dma_wait3A_172 = tpu.memref_squeeze %dma_wait3A_171 : memref<1x128x128xf32, #tpu.memory_space<vmem>> -> memref<128x128xf32, #tpu.memory_space<vmem>>
    %dma_wait3A_173 = arith.constant 0 : i32
    %dma_wait3A_174 = tpu.memref_slice %arg4[%add3A_167, %dma_wait3A_173] : memref<819200x128xf32, #tpu.memory_space<hbm>> -> memref<128x128xf32, #tpu.memory_space<hbm>>
    %dma_wait3A_175 = arith.constant 0 : i32
    %dma_wait3A_176 = tpu.memref_slice %arg4[%add3A_167, %dma_wait3A_175] : memref<819200x128xf32, #tpu.memory_space<hbm>> -> memref<128x128xf32, #tpu.memory_space<hbm>>
    %dma_wait3A_177 = arith.constant 0 : i32
    %dma_wait3A_178 = arith.constant 0 : i32
    %dma_wait3A_179 = tpu.memref_slice %arg6[%dma_wait3A_168, %dma_wait3A_177, %dma_wait3A_178] : memref<6x128x128xf32, #tpu.memory_space<vmem>> -> memref<1x128x128xf32, #tpu.memory_space<vmem>>
    %dma_wait3A_180 = tpu.memref_squeeze %dma_wait3A_179 : memref<1x128x128xf32, #tpu.memory_space<vmem>> -> memref<128x128xf32, #tpu.memory_space<vmem>>
    tpu.wait_dma2 semaphore(%arg14 : memref<!tpu.dma_semaphore, #tpu.memory_space<semaphore_mem>>) src(%dma_wait3A_180 : memref<128x128xf32, #tpu.memory_space<vmem>>) dst(%dma_wait3A_176 : memref<128x128xf32, #tpu.memory_space<hbm>>)
    return
  }
}

</mosaic_0001>

<sc_bundles>
// kernel: _sc_gather.3.cloned.1.call-start
scs
__scs_entry_jumppad:
0x0: {  	(pc) =	sbr.rel $0x88, $3  }
0x1: {  	(tag) =	ssettag $0x0;
	lr =	simm.s32 $0x1  }
0x2: {  	[smem:$0x3F9F] =	sst lr;
	_ =	strace $0xD0000000  }
0x3: {  	_ = 	snop  }
0x4: {  	_ = 	snop  }
0x5: {  	_ = 	snop  }
0x6: {  	_ = 	snop  }
0x7: {  	_ = 	snop  }
__scs_overlays_trampoline_lowered:
0x8: {  	[smem:$0x3FAE] =	sst s0  }
0x9: {  	[smem:$0x3FAF] =	sst s1  }
0xa: {  	[smem:$0x3FB0] =	sst s2  }
0xb: {  	[smem:$0x3FB1] =	sst s3  }
0xc: {  	[smem:$0x3FB2] =	sst s4  }
0xd: {  	[smem:$0x3FB3] =	sst s5  }
0xe: {  	[smem:$0x3FB4] =	sst s6  }
0xf: {  	[smem:$0x3FB5] =	sst s7  }
0x10: {  	[smem:$0x3FB6] =	sst s8  }
0x11: {  	[smem:$0x3FB7] =	sst s9;
	s0 =	simm.s32 @!p0 $0x0  }
0x12: {  	s1 =	sld [smem:$0x3F9D];
	s0 =	simm.s32 @p0 $0x1  }
0x13: {  	[smem:$0x3FB8] =	sst s0;
	s0 =	simm.s32 @!p1 $0x0  }
0x14: {  	s2 =	sld [smem:$0x3F9C];
	s0 =	simm.s32 @p1 $0x1  }
0x15: {  	[smem:$0x3FB9] =	sst s0;
	s0 =	simm.s32 @!p2 $0x0  }
0x16: {  	s3 =	sld [smem:$0x3FDB];
	s0 =	simm.s32 @p2 $0x1  }
0x17: {  	s4 =	simm.s32 $0x1BF5;
	[smem:$0x3FBB] =	sst s0  }
0x18: {  	s0 =	sld [smem:$0x3F9E];
	_ =	swait.ge [sflag:s4], $0x0  }
0x19: {  	s7 =	sld [smem:$0x3F9F]  }
0x1a: {  	s8 =	sadd.s32 $0xFFFFE003, lr  }
0x1b: {  	s9 =	sadd.s32 $0xFFFFFEF7, lr;
	s5 =	simm.s32 $0xFFFFFFFF;
	p2 =	slt.u32 s8, $0xFFFFF086  }
0x1c: {  	p1 =	slt.u32 s9, $0xF7A;
	s5 =	simm.s32 @!p2 $0x0  }
0x1d: {  	s5 =	simm.s32 @p1 $0x1;
	p0 =	seq.s32 s7, s2  }
0x1e: {  	s7 =	smul.u32 @!p0 $0xF7A, s2;
	p2 =	seq.s32 @!p0 s5, $0x0  }
0x1f: {  	s9 =	smul.u32 $0xF7A, s1;
	s8 =	simm.s32 @!p0 $0x1BF5;
	p2 =	por !p2, p0  }
0x20: {  	[sflag:s8] =	ssyncset.s32 @!p0 $0xFFFFF086;
	s6 =	sadd.s32 @!p0 s3, s7;
	s7 =	simm.s32 @!p0 $0x108  }
0x21: {  	s3 =	sadd.s32 s3, s9;
	s6 =	sadd.s32 @!p0 $0x88, s6;
	s7 =	simm.s32 @p2 $0x1082  }
0x22: {  	[simem:s7], [sflag:s8] =	dma.local @!p0 [hbm:s6], $0xF7A  }
0x23: {  	s9 =	sor.u32 $0xD0000000, s2;
	s6 =	simm.s32 $0x108;
	_ =	swait.ge @!p0 [sflag:s8], $0x0  }
0x24: {  	s3 =	sadd.s32 $0x88, s3;
	s6 =	simm.s32 @!p1 $0x1082;
	[sflag:s4] =	ssyncset.s32 $0xFFFFF086  }
0x25: {  	[simem:s6], [sflag:s4] =	dma.local [hbm:s3], $0xF7A  }
0x26: {  	[smem:$0x3F9F] =	sst s1;
	(tag) =	ssettag s2;
	_ =	strace s9  }
0x27: {  	s1 =	sld [smem:$0x3FAF]  }
0x28: {  	s2 =	sld [smem:$0x3FB0]  }
0x29: {  	s4 =	sld [smem:$0x3FB2]  }
0x2a: {  	p0 =	seq.s32 s5, $0x0;
	s5 =	sld [smem:$0x3FB3]  }
0x2b: {  	s6 =	sld [smem:$0x3FB4]  }
0x2c: {  	s7 =	sld [smem:$0x3FB5]  }
0x2d: {  	s3 =	simm.s32 $0x108;
	s8 =	sld [smem:$0x3FB6]  }
0x2e: {  	s3 =	simm.s32 @!p0 $0x1082;
	s9 =	sld [smem:$0x3FB7]  }
0x2f: {  	lr =	sadd.s32 s0, s3;
	s0 =	sld [smem:$0x3FAE]  }
0x30: {  	s3 =	sld [smem:$0x3FB1]  }
0x31: {  	[smem:$0x3FBA] =	sst s10  }
0x32: {  	s10 =	sld [smem:$0x3FB8];
	_ =	sdelay $0x3  }
0x33: {  	p0 =	seq.s32 s10, $0x1;
	s10 =	sld [smem:$0x3FBA];
	_ =	sdelay $0x3  }
0x34: {  	[smem:$0x3FBA] =	sst s10  }
0x35: {  	s10 =	sld [smem:$0x3FB9];
	_ =	sdelay $0x3  }
0x36: {  	p1 =	seq.s32 s10, $0x1;
	s10 =	sld [smem:$0x3FBA];
	_ =	sdelay $0x3  }
0x37: {  	[smem:$0x3FBA] =	sst s10  }
0x38: {  	s10 =	sld [smem:$0x3FBB]  }
0x39: {  	_ = 	snop;
	(pc) =	sbr.ind lr, $3  }
0x3a: {  	_ = 	snop  }
0x3b: {  	_ = 	snop  }
0x3c: {  	p2 =	seq.s32 s10, $0x1;
	s10 =	sld [smem:$0x3FBA]  }
0x3d: {  	_ =	shalt  }
0x3e: {  	_ =	shalt  }
0x3f: {  	_ =	shalt  }
0x40: {  	_ =	shalt  }
0x41: {  	_ =	shalt  }
0x42: {  	_ =	shalt  }
0x43: {  	_ =	shalt  }
0x44: {  	_ =	shalt  }
0x45: {  	_ =	shalt  }
0x46: {  	_ =	shalt  }
0x47: {  	_ =	shalt  }
0x48: {  	_ =	shalt  }
0x49: {  	_ =	shalt  }
0x4a: {  	_ =	shalt  }
0x4b: {  	_ =	shalt  }
0x4c: {  	_ =	shalt  }
0x4d: {  	_ =	shalt  }
0x4e: {  	_ =	shalt  }
0x4f: {  	_ =	shalt  }
0x50: {  	_ =	shalt  }
0x51: {  	_ =	shalt  }
0x52: {  	_ =	shalt  }
0x53: {  	_ =	shalt  }
0x54: {  	_ =	shalt  }
0x55: {  	_ =	shalt  }
0x56: {  	_ =	shalt  }
0x57: {  	_ =	shalt  }
0x58: {  	_ =	shalt  }
0x59: {  	_ =	shalt  }
0x5a: {  	_ =	shalt  }
0x5b: {  	_ =	shalt  }
0x5c: {  	_ =	shalt  }
0x5d: {  	_ =	shalt  }
0x5e: {  	_ =	shalt  }
0x5f: {  	_ =	shalt  }
0x60: {  	_ =	shalt  }
0x61: {  	_ =	shalt  }
0x62: {  	_ =	shalt  }
0x63: {  	_ =	shalt  }
0x64: {  	_ =	shalt  }
0x65: {  	_ =	shalt  }
0x66: {  	_ =	shalt  }
0x67: {  	_ =	shalt  }
0x68: {  	_ =	shalt  }
0x69: {  	_ =	shalt  }
0x6a: {  	_ =	shalt  }
0x6b: {  	_ =	shalt  }
0x6c: {  	_ =	shalt  }
0x6d: {  	_ =	shalt  }
0x6e: {  	_ =	shalt  }
0x6f: {  	_ =	shalt  }
0x70: {  	_ =	shalt  }
0x71: {  	_ =	shalt  }
0x72: {  	_ =	shalt  }
0x73: {  	_ =	shalt  }
0x74: {  	_ =	shalt  }
0x75: {  	_ =	shalt  }
0x76: {  	_ =	shalt  }
0x77: {  	_ =	shalt  }
0x78: {  	_ =	shalt  }
0x79: {  	_ =	shalt  }
0x7a: {  	_ =	shalt  }
0x7b: {  	_ =	shalt  }
0x7c: {  	_ =	shalt  }
0x7d: {  	_ =	shalt  }
0x7e: {  	_ =	shalt  }
0x7f: {  	_ =	shalt  }
0x80: {  	_ =	shalt  }
0x81: {  	_ =	shalt  }
0x82: {  	_ =	shalt  }
0x83: {  	_ =	shalt  }
0x84: {  	_ =	shalt  }
0x85: {  	_ =	shalt  }
0x86: {  	_ =	shalt  }
0x87: {  	_ =	shalt  }
.Lfunc_end0:
.L_simem_size_0:
called_computation_lowered:
.L_overlay_start_0:
0x88: {  	s2 =	sld [smem:$0x3FD9]  }
0x89: {  	s3 =	sld [smem:$0x3FFE];
	_ =	sdelay $0x1  }
0x8a: {  	s1 =	srdreg.scid  }
0x8b: {  	s0 =	sand.u32 $0x1, s1  }
0x8c: {  	s18 =	sshll.u32 s0, $0xA;
	s2 =	sadd.s32 s3, s2  }
0x8d: {  	s2 =	sadd.s32 s2, s18  }
0x8e: {  	[smem:$0x3FC6] =	sst s2  }
0x8f: {  	_ = 	snop  }
0x90: {  	s2 =	sld [smem:$0x3FC9]  }
0x91: {  	s19 =	sld [smem:$0x3FC8]  }
0x92: {  	s4 =	sld [smem:$0x3FD0];
	(tm) =	ssettm $0x1  }
0x93: {  	s5 =	sld [smem:$0x3FFB];
	_ =	sdelay $0x3  }
0x94: {  	_ =	strace s5  }
0x95: {  	s5 =	sld [smem:$0x3FFC];
	_ =	sdelay $0x3  }
0x96: {  	_ =	strace s5  }
0x97: {  	s5 =	sld [smem:$0x3FFD];
	_ =	sdelay $0x3  }
0x98: {  	_ =	strace s5  }
0x99: {  	_ =	strace $0x8FFFFFFF  }
0x9a: {  	s20 =	sld [smem:$0x3FDB];
	_ =	sdelay $0x1  }
0x9b: {  	s6 =	simm.s32 $_scs_section_size  }
0x9c: {  	s7 =	simm.s32 $_size__tile_overlayer_lowered;
	s8 =	simm.s32 $_tile_overlayer_lowered  }
0x9d: {  	s23 =	simm.s32 $0x1BFF;
	s22 =	sshll.u32 s8, $0x1;
	s5 =	sadd.s32 s6, s20  }
0x9e: {  	s9 =	simm.s32 $0x0;
	s21 =	sshll.u32 s7, $0x1;
	s7 =	sadd.s32 s22, s5  }
0x9f: {  	[timem:s9], [sflag:s23] =	dma.local [hbm:s7], s21  }
0xa0: {  	_ =	swait.ge [sflag:s23], s21  }
0xa1: {  	s6 =	ssub.s32 $0x0, s21;
	[sflag:s23] =	ssyncset.done $0x0  }
0xa2: {  	[sflag:s23] =	ssyncadd.s32 s6;
	_ =	sdelay $0x1  }
0xa3: {  	s24 =	simm.s32 $0x1B8B  }
0xa4: {  	_ =	swait.ge [sflag:s24], $0x1  }
0xa5: {  	[sflag:s24] =	ssyncset.done $0x0  }
0xa6: {  	s25 =	simm.s32 $0x1B8E;
	[sflag:s24] =	ssyncadd.s32 $0xFFFFFFFF  }
0xa7: {  	s26 =	simm.s32 $execute0_lowered;
	[smem:$0x3FD2] =	sst s25  }
0xa8: {  	s6 =	sshll.u32 s26, $0x1;
	_ =	strace $0x80000046;
	[dreg:$0x1] =	wrdreg $0xFFFFFFFF  }
0xa9: {  	s28 =	simm.s32 $_size_execute0_lowered;
	s5 =	sadd.s32 s5, s6;
	[dreg:$0x0] =	wrdreg $0x0  }
0xaa: {  	s6 =	sshll.u32 s28, $0x1;
	[dreg:$0x2] =	wrdreg s5  }
0xab: {  	[dreg:$0x3] =	wrdreg s6  }
0xac: {  	[dreg:$0x4] =	wrdreg $0xC0  }
0xad: {  	_ =	task [dreg:s9], $0x5FFFF  }
0xae: {  	[dreg:$0x1] =	wrdreg $0xFFFFFFFF  }
0xaf: {  	[dreg:$0x0] =	wrdreg $0x60  }
0xb0: {  	[dreg:$0x2] =	wrdreg s2  }
0xb1: {  	[dreg:$0x3] =	wrdreg s19  }
0xb2: {  	[dreg:$0x4] =	wrdreg s4  }
0xb3: {  	[dreg:$0x5] =	wrdreg $0x9  }
0xb4: {  	_ =	task.clear_ibuf [dreg:s9], $0x6FFFF;
	_ =	strace $0x90000046  }
0xb5: {  	s29 =	simm.s32 $0x9;
	_ =	strace $0x80000048  }
0xb6: {  	_ =	swait.ge [sflag:s29], $0x1  }
0xb7: {  	[sflag:s29] =	ssyncadd.s32 $0xFFFFFFFF  }
0xb8: {  	_ =	strace $0x90000048  }
0xb9: {  	_ =	sfence  }
0xba: {  	s30 =	sld [smem:$0x0];
	_ =	sdelay $0x2  }
0xbb: {  	s31 =	sshll.u32 s1, $0xD;
	s1 =	sshrl.u32 s1, $0x2  }
0xbc: {  	s3 =	sand.u32 $0x4000, s31;
	s1 =	sadd.s32 s1, s30  }
0xbd: {  	s0 =	sor.u32 s3, s0;
	s1 =	sshll.u32 s1, $0x11  }
0xbe: {  	s0 =	sor.u32 s1, s0  }
0xbf: {  	s0 =	sadd.s32 $0x8F2B, s0  }
0xc0: {  	[sflag:s0] =	ssyncadd.remote.s32 $0x1  }
0xc1: {  	_ =	sfence.sel $0xFFFF  }
0xc2: {  	[dreg:$0x0] =	wrdreg $0xFFFFFFFF;
	(pc) =	sbr.abs _section_cstart, $3  }
0xc3: {  	[dreg:$0x1] =	wrdreg $0xFFFFFFFF  }
0xc4: {  	_ =	task.clear_ibuf [dreg:s9], $0x2FFFF;
	_ =	strace $0x9FFFFFFF  }
0xc5: {  	(tm) =	ssettm $0x7FFFFFFF  }
tec
execute0_lowered:
.L_overlay_start_1:
0x0: {  	(tag) =	ssettag $0x1  }
0x1: {  	s0 =	srdreg.scid;
	s1 =	rddreg [dreg:$0x0]  }
0x2: {  	s2 =	rddreg [dreg:$0x1];
	s11 =	stileid.u32  }
0x3: {  	s4 =	rddreg [dreg:$0x2];
	s15 =	simm.s32 $0x80;
	s16 =	simm.s32 $0x6400  }
0x4: {  	s28 =	simm.s32 $0x7;
	s29 =	simm.s32 $0x5;
	s10 =	smul.u32 $0x320000, s11  }
0x5: {  	s30 =	simm.s32 $0x8;
	s0 =	sand.u32 $0x1, s0;
	s22 =	smul.u32 $0x64000, s11  }
0x6: {  	s31 =	simm.s32 $0x6;
	s3 =	sshll.u32 s0, $0x4;
	s9 =	smul.u32 $0x3200000, s0  }
0x7: {  	s7 =	ssub.s32 $0x2, s0;
	s0 =	smul.u32 $0x640000, s0;
	s5 =	sor.u32 s11, s3  }
0x8: {  	s3 =	simm.s32 $0x0;
	s8 =	sshrl.u32 s7, $0x1;
	s6 =	smul.u32 $0x6400, s5  }
0x9: {  	[smem:$0x7FF] =	sst s3;
	s5 =	smul.u32 $0x320000, s5;
	s7 =	ssub.s32 s7, s8  }
0xa: {  	s18 =	sadd.s32 s10, s9;
	s0 =	sadd.s32 s0, s4;
	_ =	strace $0x80000047  }
0xb: {  	s19 =	smax.u32 s7, $0x1;
	s20 =	sor.u32 $0x8000, s18;
	s21 =	sor.u32 $0x4000, s18  }
0xc: {  	s10 =	sadd.s32 s22, s0;
	s24 =	sor.u32 $0x14000, s18;
	s25 =	sor.u32 $0x10000, s18  }
0xd: {  	s22 =	simm.s32 $0x2;
	s6 =	sshrl.u32 s6, $0x3;
	s5 =	sshrl.u32 s5, $0x3  }
0xe: {  	[dreg:$0x7] =	wrdreg s19;
	s23 =	sshrl.u32 s21, $0x3;
	s0 =	sshrl.u32 s24, $0x3  }
0xf: {  	s26 =	sshrl.u32 s25, $0x3;
	s19 =	simm.s32 $0xE400;
	s21 =	simm.s32 $0x12400  }
0x10: {  	s24 =	simm.s32 $0x3;
	s25 =	simm.s32 $0x1A400;
	s2 =	sadd.s32 s2, s6  }
0x11: {  	s17 =	sadd.s32 s4, s5;
	s9 =	sadd.s32 s23, s4;
	s11 =	sadd.s32 s0, s4  }
0x12: {  	s12 =	sadd.s32 s26, s4;
	s23 =	simm.s32 $0x16400;
	s26 =	simm.s32 $0x4  }
0x13: {  	s0 =	simm.s32 $0xA;
	[dreg:$0x4] =	wrdreg s2;
	s5 =	sadd.s32 $0x63000, s17  }
.Ltmp0:
0x14: {  	s2 =	sadd.s32 $0x63800, s17;
	[dreg:$0x5] =	wrdreg s5;
	(pc) =	sbr.rel .LBB2_1-.Ltmp0, $4  }
0x15: {  	s17 =	simm.s32 $0xA400;
	[dreg:$0x6] =	wrdreg s2;
	s5 =	sshrl.u32 s20, $0x3  }
0x16: {  	s2 =	sor.u32 $0xC000, s18;
	s20 =	simm.s32 $0x1;
	s18 =	simm.s32 $0xB  }
0x17: {  	s8 =	sadd.s32 s5, s4;
	s2 =	sshrl.u32 s2, $0x3;
	s5 =	simm.s32 $0x0  }
0x18: {  	s13 =	sadd.s32 s2, s4;
	s2 =	simm.s32 $0x9;
	s4 =	simm.s32 $0xC  }
.LBB2_4:
0x19: {  	_ =	swait.ge [sflag:s20], $0x4000  }
0x1a: {  	[sflag:s20] =	ssyncset.done $0x0  }
0x1b: {  	s6 =	rddreg [dreg:$0x5];
	[sflag:s20] =	ssyncadd.s32 $0xFFFFC000  }
0x1c: {  	[hbm4b:s6+s3] =	stream.linear.scatter [tilespmem:s16], [sflag:$0x7], $0x4000, $0x38;
	[tilespmem:$0x1E400] =	vst v63  }
0x1d: {  	_ =	swait.ge [sflag:s0], $0x4000  }
0x1e: {  	[sflag:s0] =	ssyncset.done $0x0  }
0x1f: {  	[sflag:s0] =	ssyncadd.s32 $0xFFFFC000  }
0x20: {  	_ =	swait.ge [sflag:s22], $0x4000  }
0x21: {  	[sflag:s22] =	ssyncset.done $0x0  }
0x22: {  	s7 =	rddreg [dreg:$0x6];
	[sflag:s22] =	ssyncadd.s32 $0xFFFFC000  }
0x23: {  	[hbm4b:s7+s3] =	stream.linear.scatter [tilespmem:s17], [sflag:$0x8], $0x4000, $0x38;
	[tilespmem:$0x1E400] =	vst v63  }
0x24: {  	_ =	swait.ge [sflag:s18], $0x4000  }
0x25: {  	[sflag:s18] =	ssyncset.done $0x0  }
0x26: {  	[sflag:s18] =	ssyncadd.s32 $0xFFFFC000  }
0x27: {  	_ =	swait.ge [sflag:s4], $0x4000  }
0x28: {  	[sflag:s4] =	ssyncset.done $0x0  }
0x29: {  	[sflag:s4] =	ssyncadd.s32 $0xFFFFC000  }
0x2a: {  	_ =	swait.ge [sflag:s28], $0x4000  }
0x2b: {  	[sflag:s28] =	ssyncset.done $0x0  }
0x2c: {  	[sflag:s28] =	ssyncadd.s32 $0xFFFFC000  }
0x2d: {  	_ =	swait.ge [sflag:s30], $0x4000  }
0x2e: {  	s5 =	sadd.s32 $0x1, s5;
	s14 =	rddreg [dreg:$0x7]  }
0x2f: {  	p0 =	sne.s32 s5, s14  }
.Ltmp1:
0x30: {  	_ = 	snop;
	(pc) =	sbr.rel @!p0 .LBB2_5-.Ltmp1, $3  }
0x31: {  	_ =	sdelay $0x1  }
0x32: {  	[sflag:s30] =	ssyncset.done $0x0  }
0x33: {  	[sflag:s30] =	ssyncadd.s32 $0xFFFFC000  }
.LBB2_1:
0x34: {  	s6 =	rddreg [dreg:$0x4];
	s7 =	simm.s32 $0xD  }
0x35: {  	[tilespmem:s3], [sflag:$0xD] =	stream.linear.gather [hbm4b:s6+s3], $0x6400, $0x38;
	[tilespmem:$0x1E400] =	vst v63  }
0x36: {  	_ =	swait.ge [sflag:s7], $0x6400  }
0x37: {  	[sflag:s7] =	ssyncset.done $0x0  }
0x38: {  	[sflag:s7] =	ssyncadd.s32 $0xFFFF9C00  }
0x39: {  	[tilespmem:s16], [sflag:$0x1] =	stream.indirect.gather [hbm4b:s1+s15], $0x80, s3, s15, $0xb8;
	[tilespmem:$0x1E400] =	vst v63  }
0x3a: {  	_ = 	snop  }
0x3b: {  	[tilespmem:s17], [sflag:$0x2] =	stream.indirect.gather [hbm4b:s1+s15], $0x80, s15, s15, $0xb8;
	[tilespmem:$0x1E400] =	vst v63  }
0x3c: {  	s14 =	simm.s32 $0x100;
	s6 =	simm.s32 $0x200;
	s7 =	simm.s32 $0x0  }
0x3d: {  	[tilespmem:s19], [sflag:$0x3] =	stream.indirect.gather [hbm4b:s1+s15], $0x80, s14, s15, $0xb8;
	[tilespmem:$0x1E400] =	vst v63  }
.LBB2_2:
0x3e: {  	_ =	swait.ge [sflag:s20], $0x4000  }
0x3f: {  	[sflag:s20] =	ssyncset.done $0x0  }
0x40: {  	s14 =	sadd.s32 s7, s10;
	p0 =	seq.s32 s7, $0x0;
	[sflag:s20] =	ssyncadd.s32 $0xFFFFC000  }
0x41: {  	[hbm4b:s14+s3] =	stream.linear.scatter [tilespmem:s16], [sflag:$0x7], $0x4000, $0x38;
	[tilespmem:$0x1E400] =	vst v63  }
0x42: {  	s14 =	simm.s32 @!p0 $0xA  }
0x43: {  	_ =	swait.ge @!p0 [sflag:s14], $0x4000  }
0x44: {  	[sflag:s14] =	ssyncset.done @!p0 $0x0  }
0x45: {  	[sflag:s14] =	ssyncadd.s32 @!p0 $0xFFFFC000;
	s14 =	sadd.s32 $0xFFFFFF80, s6  }
0x46: {  	[tilespmem:s21], [sflag:$0x4] =	stream.indirect.gather [hbm4b:s1+s15], $0x80, s14, s15, $0xb8;
	[tilespmem:$0x1E400] =	vst v63  }
0x47: {  	_ =	swait.ge [sflag:s22], $0x4000  }
0x48: {  	[sflag:s22] =	ssyncset.done $0x0  }
0x49: {  	s14 =	sadd.s32 s7, s9;
	[sflag:s22] =	ssyncadd.s32 $0xFFFFC000  }
0x4a: {  	[hbm4b:s14+s3] =	stream.linear.scatter [tilespmem:s17], [sflag:$0x8], $0x4000, $0x38;
	[tilespmem:$0x1E400] =	vst v63  }
0x4b: {  	s14 =	simm.s32 @!p0 $0xB  }
0x4c: {  	_ =	swait.ge @!p0 [sflag:s14], $0x4000  }
0x4d: {  	[sflag:s14] =	ssyncset.done @!p0 $0x0  }
0x4e: {  	[sflag:s14] =	ssyncadd.s32 @!p0 $0xFFFFC000  }
0x4f: {  	[tilespmem:s23], [sflag:$0x5] =	stream.indirect.gather [hbm4b:s1+s15], $0x80, s6, s15, $0xb8;
	[tilespmem:$0x1E400] =	vst v63  }
0x50: {  	_ =	swait.ge [sflag:s24], $0x4000  }
0x51: {  	[sflag:s24] =	ssyncset.done $0x0  }
0x52: {  	s14 =	sadd.s32 s7, s8;
	[sflag:s24] =	ssyncadd.s32 $0xFFFFC000  }
0x53: {  	[hbm4b:s14+s3] =	stream.linear.scatter [tilespmem:s19], [sflag:$0x9], $0x4000, $0x38;
	[tilespmem:$0x1E400] =	vst v63  }
0x54: {  	s14 =	simm.s32 @!p0 $0xC  }
0x55: {  	_ =	swait.ge @!p0 [sflag:s14], $0x4000  }
0x56: {  	[sflag:s14] =	ssyncset.done @!p0 $0x0  }
0x57: {  	[sflag:s14] =	ssyncadd.s32 @!p0 $0xFFFFC000;
	s14 =	sadd.s32 $0x80, s6  }
0x58: {  	[tilespmem:s25], [sflag:$0x6] =	stream.indirect.gather [hbm4b:s1+s15], $0x80, s14, s15, $0xb8;
	[tilespmem:$0x1E400] =	vst v63  }
0x59: {  	_ =	swait.ge [sflag:s26], $0x4000  }
0x5a: {  	[sflag:s26] =	ssyncset.done $0x0  }
0x5b: {  	s14 =	sadd.s32 s7, s13;
	[sflag:s26] =	ssyncadd.s32 $0xFFFFC000  }
0x5c: {  	[hbm4b:s14+s3] =	stream.linear.scatter [tilespmem:s21], [sflag:$0xA], $0x4000, $0x38;
	[tilespmem:$0x1E400] =	vst v63  }
0x5d: {  	_ =	swait.ge [sflag:s28], $0x4000  }
0x5e: {  	[sflag:s28] =	ssyncset.done $0x0  }
0x5f: {  	s14 =	sadd.s32 $0x100, s6;
	[sflag:s28] =	ssyncadd.s32 $0xFFFFC000  }
0x60: {  	[tilespmem:s16], [sflag:$0x1] =	stream.indirect.gather [hbm4b:s1+s15], $0x80, s14, s15, $0xb8;
	[tilespmem:$0x1E400] =	vst v63  }
0x61: {  	_ =	swait.ge [sflag:s29], $0x4000  }
0x62: {  	[sflag:s29] =	ssyncset.done $0x0  }
0x63: {  	s14 =	sadd.s32 s7, s12;
	[sflag:s29] =	ssyncadd.s32 $0xFFFFC000  }
0x64: {  	[hbm4b:s14+s3] =	stream.linear.scatter [tilespmem:s23], [sflag:$0xB], $0x4000, $0x38;
	[tilespmem:$0x1E400] =	vst v63  }
0x65: {  	_ =	swait.ge [sflag:s30], $0x4000  }
0x66: {  	[sflag:s30] =	ssyncset.done $0x0  }
0x67: {  	s14 =	sadd.s32 $0x180, s6;
	[sflag:s30] =	ssyncadd.s32 $0xFFFFC000  }
0x68: {  	[tilespmem:s17], [sflag:$0x2] =	stream.indirect.gather [hbm4b:s1+s15], $0x80, s14, s15, $0xb8;
	[tilespmem:$0x1E400] =	vst v63  }
0x69: {  	_ =	swait.ge [sflag:s31], $0x4000  }
0x6a: {  	p0 =	seq.s32 s7, $0x60000;
	[sflag:s31] =	ssyncset.done $0x0  }
.Ltmp2:
0x6b: {  	s14 =	sadd.s32 s7, s11;
	[sflag:s31] =	ssyncadd.s32 $0xFFFFC000;
	(pc) =	sbr.rel @p0 .LBB2_4-.Ltmp2, $4  }
0x6c: {  	[hbm4b:s14+s3] =	stream.linear.scatter [tilespmem:s25], [sflag:$0xC], $0x4000, $0x38;
	[tilespmem:$0x1E400] =	vst v63  }
0x6d: {  	_ =	swait.ge [sflag:s2], $0x4000  }
0x6e: {  	[sflag:s2] =	ssyncset.done $0x0  }
0x6f: {  	[sflag:s2] =	ssyncadd.s32 $0xFFFFC000  }
.Ltmp3:
0x70: {  	(pc) =	sbr.rel .LBB2_2-.Ltmp3, $3  }
0x71: {  	_ =	sdelay $0x1  }
0x72: {  	s14 =	sadd.s32 $0x200, s6;
	s7 =	sadd.s32 $0x3000, s7;
	s6 =	sadd.s32 $0x300, s6  }
0x73: {  	[tilespmem:s19], [sflag:$0x3] =	stream.indirect.gather [hbm4b:s1+s15], $0x80, s14, s15, $0xb8;
	[tilespmem:$0x1E400] =	vst v63  }
.LBB2_5:
0x74: {  	_ =	sfence.sel $0x180000  }
0x75: {  	[bflag:$0x0] =	sbarrier.arrive $0xFFFF  }
0x76: {  	_ =	strace $0x90000047  }
0x77: {  	s0 =	stileid.u32;
	[bflag:$0x2] =	sbarrier.arrive $0xFFFF  }
0x78: {  	p0 =	sne.s32 s0, $0x0;
	s0 =	rddreg [dreg:$0x3]  }
0x79: {  	s0 =	sadd.s32 @!p0 $0x100000, s0  }
0x7a: {  	[sflag:s0] =	ssyncadd.tile.s32 @!p0 $0x1;
	_ =	shalt  }
.Lfunc_end2:
_tile_overlayer_lowered:
.L_overlay_start_2:
0x7b: {  	(tag) =	ssettag $0x2  }
0x7c: {  	s0 =	rddreg [dreg:$0x0];
	s2 =	stileid.u32  }
0x7d: {  	s1 =	rddreg [dreg:$0x1];
	p0 =	sne.s32 s2, $0x0  }
0x7e: {  	s3 =	rddreg [dreg:$0x2];
	[bflag:$0x3] =	sbarrier.arrive $0xFFFF;
	s2 =	simm.s32 @!p0 $0x1C0D  }
0x7f: {  	[timem:s3], [sflag:s2] =	dma.local @!p0 [hbm:s0], s1  }
0x80: {  	s0 =	simm.s32 @!p0 $0xD  }
0x81: {  	_ =	swait.ge @!p0 [sflag:s0], s1  }
0x82: {  	s1 =	ssub.s32 @!p0 $0x0, s1;
	[sflag:s0] =	ssyncset.done @!p0 $0x0  }
0x83: {  	[sflag:s0] =	ssyncadd.s32 @!p0 s1  }
0x84: {  	[bflag:$0x3] =	sbarrier.arrive $0xFFFF  }
0x85: {  	_ =	shalt  }

</sc_bundles>
